<compile_context>
chip_gen: v7x
topology: tpu7x:2x2x1
jax: 0.10.2.dev20260603
libtpu: 0.0.44.dev20260713+nightly
codegen_flags: <defaults>
</compile_context>

<pallas_src>
import functools

import jax
import jax.numpy as jnp
from jax import lax
from jax.experimental import pallas as pl
from jax.experimental.pallas import tpu as pltpu
from jax.experimental.pallas import tpu_sc as plsc

_C = 81
_G = 400
_GP = 512
_BINS = 416
_PAD_BIN = 415
_TBL = 408

_NW = 32
_CHUNK = 1568
_NP = _NW * _CHUNK

_BA = 1792


def _match_body(bbt_ref, gtp_ref, out_ref, *, n):
    b = bbt_ref[...]
    g = gtp_ref[...]
    ax1, ay1, ax2, ay2 = (b[i:i + 1, :] for i in range(4))
    gx1, gy1, gx2, gy2 = (g[:, i:i + 1] for i in range(4))

    area_a = (ax2 - ax1) * (ay2 - ay1)
    area_g = (gx2 - gx1) * (gy2 - gy1)
    w = jnp.maximum(jnp.minimum(ax2, gx2) - jnp.maximum(ax1, gx1), 0.0)
    h = jnp.maximum(jnp.minimum(ay2, gy2) - jnp.maximum(ay1, gy1), 0.0)
    inter = w * h
    r = inter / (area_a + area_g)

    bits = lax.bitcast_convert_type(r, jnp.int32)
    revj = (_GP - 1) - lax.broadcasted_iota(jnp.int32, (_G, 1), 0)
    key = jnp.bitwise_or(jnp.bitwise_and(bits, -_GP), revj)
    kmax = jnp.max(key, axis=0, keepdims=True)

    idx = (_GP - 1) - jnp.bitwise_and(kmax, _GP - 1)
    r_q = lax.bitcast_convert_type(jnp.bitwise_and(kmax, -_GP), jnp.float32)
    matched = jnp.where(r_q >= jnp.float32(1.0 / 3.0), idx, _G)
    aid = pl.program_id(0) * _BA + lax.broadcasted_iota(jnp.int32, (1, _BA), 1)
    out_ref[...] = jnp.where(aid < n, matched, _PAD_BIN)


def _match(bbt, gtp, n):
    return pl.pallas_call(
        functools.partial(_match_body, n=n),
        grid=(_NP // _BA,),
        in_specs=[
            pl.BlockSpec((4, _BA), lambda i: (0, i)),
            pl.BlockSpec((_G, 4), lambda i: (0, 0)),
        ],
        out_specs=pl.BlockSpec((1, _BA), lambda i: (0, i)),
        out_shape=jax.ShapeDtypeStruct((1, _NP), jnp.int32),
    )(bbt, gtp)


def _hist_body(idx_hbm, out_hbm, idx_v, hist_v, row_v):
    wid = lax.axis_index("s") * 2 + lax.axis_index("c")
    base = wid * _CHUNK
    pltpu.sync_copy(idx_hbm.at[pl.ds(base, _CHUNK)], idx_v)

    zeros = jnp.zeros((16,), jnp.float32)
    ones = jnp.ones((16,), jnp.float32)
    lane_off = lax.iota(jnp.int32, 16) * _BINS

    def _zero(i, _):
        for k in range(16):
            hist_v[pl.ds((i * 16 + k) * 16, 16)] = zeros
        return 0
    lax.fori_loop(0, _BINS // 16, _zero, 0)

    def _accum(i, _):
        for k in range(7):
            v = idx_v[pl.ds((i * 7 + k) * 16, 16)]
            plsc.addupdate_scatter(hist_v, [lane_off + v], ones)
        return 0
    lax.fori_loop(0, _CHUNK // 16 // 7, _accum, 0)

    def _reduce(c, _):
        acc = hist_v[pl.ds(c * 16, 16)]
        for r in range(1, 16):
            acc = acc + hist_v[pl.ds(c * 16 + r * _BINS, 16)]
        row_v[pl.ds(c * 16, 16)] = acc
        return 0
    lax.fori_loop(0, _BINS // 16, _reduce, 0)

    pltpu.sync_copy(row_v, out_hbm.at[wid])


def _hist_sc(flat_idx):
    return pl.kernel(
        _hist_body,
        out_type=jax.ShapeDtypeStruct((_NW, _BINS), jnp.float32),
        mesh=plsc.VectorSubcoreMesh(
            core_axis_name="c", subcore_axis_name="s",
            num_cores=2, num_subcores=16),
        scratch_types=[
            pltpu.VMEM((_CHUNK,), jnp.int32),
            pltpu.VMEM((16 * _BINS,), jnp.float32),
            pltpu.VMEM((_BINS,), jnp.float32),
        ],
        compiler_params=pltpu.CompilerParams(needs_layout_passes=False),
    )(flat_idx)


def _combine_body(hist_ref, clst_ref, lab_ref, bbt_ref, glt_ref, out_ref, n):
    counts = jnp.sum(hist_ref[...], axis=0, keepdims=True)[:, :_TBL]
    bin_id = lax.broadcasted_iota(jnp.int32, (1, _TBL), 1)
    counts = jnp.where(bin_id <= _G, counts, 0.0)

    logits = clst_ref[...]
    m = jnp.max(logits, axis=0, keepdims=True)
    sh = logits - m
    lse = jnp.log(jnp.sum(jnp.exp(sh), axis=0, keepdims=True))
    row = lax.broadcasted_iota(jnp.int32, (_C, _TBL), 0)
    sel = jnp.sum(jnp.where(row == lab_ref[...], sh, 0.0), axis=0, keepdims=True)
    l_cls = lse - sel

    b = bbt_ref[...]
    g = glt_ref[...]
    d = jnp.abs(b - g)
    sl1 = jnp.where(d < 1.0, 0.5 * d * d, d - 0.5)
    l_reg = jnp.sum(sl1, axis=0, keepdims=True)

    area_b = (b[2:3] - b[0:1]) * (b[3:4] - b[1:2])
    area_g = (g[2:3] - g[0:1]) * (g[3:4] - g[1:2])
    w = jnp.maximum(jnp.minimum(b[2:3], g[2:3]) - jnp.maximum(b[0:1], g[0:1]), 0.0)
    h = jnp.maximum(jnp.minimum(b[3:4], g[3:4]) - jnp.maximum(b[1:2], g[1:2]), 0.0)
    inter = w * h
    union = area_b + area_g - inter
    l_iou = 1.0 - inter / jnp.maximum(union, 1e-9)

    cls_loss = jnp.sum(counts * l_cls, axis=(0, 1), keepdims=True) / n
    reg_loss = jnp.sum(counts * l_reg, axis=(0, 1), keepdims=True) / (4.0 * n)
    iou_loss = jnp.sum(counts * l_iou, axis=(0, 1), keepdims=True) / n
    total = cls_loss + reg_loss + iou_loss
    out_ref[...] = jnp.concatenate([cls_loss, reg_loss, iou_loss, total], axis=1)


def _combine(hist, clst, lab, bbt, glt, n):
    return pl.pallas_call(
        functools.partial(_combine_body, n=float(n)),
        out_shape=jax.ShapeDtypeStruct((1, 4), jnp.float32),
    )(hist, clst, lab, bbt, glt)


def kernel(cls_logits, bbox_pred, gt_labels, gt_boxes):
    n = bbox_pred.shape[0]
    f32 = jnp.float32
    cls_logits = cls_logits.astype(f32)
    bbox_pred = bbox_pred.astype(f32)
    gt_boxes = gt_boxes.astype(f32)
    gt_labels = gt_labels.astype(jnp.int32)

    bbt_all = jnp.zeros((4, _NP), f32).at[:, :n].set(bbox_pred.T)
    gtp = gt_boxes
    matched = _match(bbt_all, gtp, n)

    hist = _hist_sc(matched.reshape(-1))

    cls_cat = jnp.concatenate([cls_logits[:_G], cls_logits[n - 1:n]], axis=0)
    bb_cat = jnp.concatenate([bbox_pred[:_G], bbox_pred[n - 1:n]], axis=0)
    gl_cat = jnp.concatenate([gt_boxes, gt_boxes[_G - 1:_G]], axis=0)
    lab_cat = jnp.concatenate([gt_labels, gt_labels[_G - 1:_G]], axis=0)

    clst = jnp.zeros((_C, _TBL), f32).at[:, :_G + 1].set(cls_cat.T)
    bbt = jnp.zeros((4, _TBL), f32).at[:, :_G + 1].set(bb_cat.T)
    glt = jnp.zeros((4, _TBL), f32).at[:, :_G + 1].set(gl_cat.T)
    lab = jnp.zeros((1, _TBL), jnp.int32).at[0, :_G + 1].set(lab_cat)

    out = _combine(hist, clst, lab, bbt, glt, n)
    return out.reshape(4)

# --- scband reference (transcript-rebuilt; emitter-appended) ---
"""Pipeline reference for scband-ssdloss-7825430413489 (READ-ONLY COPY).

The authoritative reference and input builder live on the scoring server;
editing this copy changes nothing except your own understanding.
"""

import jax, jax.numpy as jnp
import numpy as np

IOU_THRESHOLD = 0.5
NUM_CLASSES = 81


def _box_iou(a, b):
    area_a = (a[:, 2] - a[:, 0]) * (a[:, 3] - a[:, 1])
    area_b = (b[:, 2] - b[:, 0]) * (b[:, 3] - b[:, 1])
    lt = jnp.maximum(a[:, None, :2], b[None, :, :2])
    rb = jnp.minimum(a[:, None, 2:], b[None, :, 2:])
    wh = jnp.clip(rb - lt, 0.0, None)
    inter = wh[..., 0] * wh[..., 1]
    union = area_a[:, None] + area_b[None, :] - inter
    return inter / jnp.clip(union, 1e-9, None)


def _pairwise_iou(a, b):
    # elementwise IoU between matched rows of a and b, both [N, 4]
    area_a = (a[:, 2] - a[:, 0]) * (a[:, 3] - a[:, 1])
    area_b = (b[:, 2] - b[:, 0]) * (b[:, 3] - b[:, 1])
    lt = jnp.maximum(a[:, :2], b[:, :2])
    rb = jnp.minimum(a[:, 2:], b[:, 2:])
    wh = jnp.clip(rb - lt, 0.0, None)
    inter = wh[:, 0] * wh[:, 1]
    union = area_a + area_b - inter
    return inter / jnp.clip(union, 1e-9, None)


def _make_boxes(key, n):
    k1, k2 = jax.random.split(key)
    xy = jax.random.uniform(k1, (n, 2), jnp.float32, 0.0, 480.0)
    wh = jax.random.uniform(k2, (n, 2), jnp.float32, 8.0, 64.0)
    return jnp.concatenate([xy, xy + wh], axis=1)


def setup_inputs(seed: int = 0) -> dict:
    key = jax.random.key(seed)
    k1, k2, k3, k4 = jax.random.split(key, 4)
    N, G, C = 50000, 400, NUM_CLASSES
    cls_logits = jax.random.normal(k1, (N, C), jnp.float32)
    bbox_pred = _make_boxes(k2, N)
    gt_boxes = _make_boxes(k3, G)
    gt_labels = jax.random.randint(k4, (G,), 0, C)
    return {"cls_logits": cls_logits, "bbox_pred": bbox_pred, "gt_labels": gt_labels, "gt_boxes": gt_boxes}


def reference(cls_logits, bbox_pred, gt_labels, gt_boxes):
    # match_predictions_to_targets
    iou = _box_iou(bbox_pred, gt_boxes)            # [N, G]
    max_iou = jnp.max(iou, axis=1)
    matched_idxs = jnp.argmax(iou, axis=1)
    matched_idxs = jnp.where(max_iou < IOU_THRESHOLD, -1, matched_idxs)

    # gathers (faithful to the original: -1 wraps to the last element)
    cl = cls_logits[matched_idxs]                  # [N, C]
    bb = bbox_pred[matched_idxs]                   # [N, 4]
    gc = gt_labels[matched_idxs]                   # [N]
    gl = gt_boxes[matched_idxs]                    # [N, 4]

    # CrossEntropyLoss (mean)
    logp = jax.nn.log_softmax(cl.reshape(-1, NUM_CLASSES), axis=-1)
    cls_loss = -jnp.mean(jnp.take_along_axis(logp, gc[:, None], axis=1))

    # SmoothL1Loss (beta=1.0, mean)
    diff = jnp.abs(bb - gl)
    sl1 = jnp.where(diff < 1.0, 0.5 * diff * diff, diff - 0.5)
    reg_loss = jnp.mean(sl1)

    # IoU loss: mean(1 - IoU(pred, gt))
    piou = _pairwise_iou(bb, gl)
    iou_loss = jnp.mean(1.0 - piou)

    total_loss = cls_loss + reg_loss + iou_loss
    return jnp.stack([cls_loss, reg_loss, iou_loss, total_loss])

if __name__ == "__main__":
    import jax
    _d = setup_inputs()
    print(jax.jit(kernel)(*tuple(_d.values())))

</pallas_src>

<mosaic_0001>
#map = affine_map<(d0, d1) -> (0)>
#map1 = affine_map<(d0, d1) -> (0, 0)>
module attributes {stable_mosaic.version = 14 : i64} {
  func.func @_hist_body(%arg0: i32, %arg1: i32, %arg2: memref<50176xi32, #tpu.memory_space<hbm>>, %arg3: memref<32x416xf32, #tpu.memory_space<hbm>>, %arg4: memref<1568xi32, #tpu.memory_space<vmem>>, %arg5: memref<6656xf32, #tpu.memory_space<vmem>>, %arg6: memref<416xf32, #tpu.memory_space<vmem>>) attributes {dimension_semantics = [#tpu.dimension_semantics<core_parallel>, #tpu.dimension_semantics<subcore_parallel>], iteration_bounds = array<i64: 2, 16>, scalar_prefetch = 0 : i64, scratch_operands = 3 : i64, tpu.core_type = #tpu.core_type<sc_vector_subcore>, window_params = [{transform_indices = #map}, {transform_indices = #map1}]} {
    %mul3A = arith.constant 2 : i32
    %mul3A_0 = arith.muli %arg1, %mul3A : i32
    %add3A = arith.addi %mul3A_0, %arg0 : i32
    %mul3A_1 = arith.constant 1568 : i32
    %mul3A_2 = arith.muli %add3A, %mul3A_1 : i32
    "tpu.region"() ({
      %run_scoped3A = tpu.sem_alloc : memref<!tpu.dma_semaphore, #tpu.memory_space<semaphore_mem>>
      %dma_start3A = tpu.memref_slice %arg2[%mul3A_2] : memref<50176xi32, #tpu.memory_space<hbm>> -> memref<1568xi32, #tpu.memory_space<hbm>>
      %dma_start3A_29 = tpu.memref_slice %arg2[%mul3A_2] : memref<50176xi32, #tpu.memory_space<hbm>> -> memref<1568xi32, #tpu.memory_space<hbm>>
      tpu.enqueue_dma source(%dma_start3A_29 : memref<1568xi32, #tpu.memory_space<hbm>>) target(%arg4 : memref<1568xi32, #tpu.memory_space<vmem>>) target_semaphore(%run_scoped3A : memref<!tpu.dma_semaphore, #tpu.memory_space<semaphore_mem>>)
      %dma_wait3A = tpu.memref_slice %arg2[%mul3A_2] : memref<50176xi32, #tpu.memory_space<hbm>> -> memref<1568xi32, #tpu.memory_space<hbm>>
      %dma_wait3A_30 = tpu.memref_slice %arg2[%mul3A_2] : memref<50176xi32, #tpu.memory_space<hbm>> -> memref<1568xi32, #tpu.memory_space<hbm>>
      tpu.wait_dma2 semaphore(%run_scoped3A : memref<!tpu.dma_semaphore, #tpu.memory_space<semaphore_mem>>) src(%dma_wait3A_30 : memref<1568xi32, #tpu.memory_space<hbm>>) dst(%arg4 : memref<1568xi32, #tpu.memory_space<vmem>>)
      tpu.yield
    }) : () -> ()
    %broadcast_in_dim3A = arith.constant 0.000000e+00 : f32
    %broadcast_in_dim3A_3 = vector.broadcast %broadcast_in_dim3A : f32 to vector<16xf32>
    %broadcast_in_dim3A_4 = arith.constant 1.000000e+00 : f32
    %broadcast_in_dim3A_5 = vector.broadcast %broadcast_in_dim3A_4 : f32 to vector<16xf32>
    %iota3A = tpu.iota {dimensions = array<i32: 0>} : vector<16xi32>
    %mul3A_6 = arith.constant 416 : i32
    %mul3A_7 = vector.broadcast %mul3A_6 : i32 to vector<16xi32>
    %mul3A_8 = arith.muli %iota3A, %mul3A_7 : vector<16xi32>
    %scan3A = arith.constant 0 : i32
    %scan3A_9 = arith.constant 0 : i32
    %scan3A_10 = arith.constant 26 : i32
    %scan3A_11 = arith.addi %scan3A_9, %scan3A_10 : i32
    %scan3A_12 = arith.constant 1 : i32
    %scan3A_13 = scf.for %scan3A_29 = %scan3A_9 to %scan3A_11 step %scan3A_12 iter_args(%scan3A_30 = %scan3A) -> (i32)  : i32 {
      %mul3A_31 = arith.constant 16 : i32
      %mul3A_32 = arith.muli %scan3A_29, %mul3A_31 : i32
      %add3A_33 = arith.constant 0 : i32
      %add3A_34 = arith.addi %mul3A_32, %add3A_33 : i32
      %mul3A_35 = arith.constant 16 : i32
      %mul3A_36 = arith.muli %add3A_34, %mul3A_35 : i32
      %swap3A = arith.index_cast %mul3A_36 : i32 to index
      %swap3A_37 = tpu.vector_load %arg5[%swap3A] {strides = array<i32>} : memref<6656xf32, #tpu.memory_space<vmem>>, vector<16xf32>,
      tpu.vector_store %arg5[%swap3A], %broadcast_in_dim3A_3 {strides = array<i32>} : memref<6656xf32, #tpu.memory_space<vmem>>, vector<16xf32>,
      %mul3A_38 = arith.constant 16 : i32
      %mul3A_39 = arith.muli %scan3A_29, %mul3A_38 : i32
      %add3A_40 = arith.constant 1 : i32
      %add3A_41 = arith.addi %mul3A_39, %add3A_40 : i32
      %mul3A_42 = arith.constant 16 : i32
      %mul3A_43 = arith.muli %add3A_41, %mul3A_42 : i32
      %swap3A_44 = arith.index_cast %mul3A_43 : i32 to index
      %swap3A_45 = tpu.vector_load %arg5[%swap3A_44] {strides = array<i32>} : memref<6656xf32, #tpu.memory_space<vmem>>, vector<16xf32>,
      tpu.vector_store %arg5[%swap3A_44], %broadcast_in_dim3A_3 {strides = array<i32>} : memref<6656xf32, #tpu.memory_space<vmem>>, vector<16xf32>,
      %mul3A_46 = arith.constant 16 : i32
      %mul3A_47 = arith.muli %scan3A_29, %mul3A_46 : i32
      %add3A_48 = arith.constant 2 : i32
      %add3A_49 = arith.addi %mul3A_47, %add3A_48 : i32
      %mul3A_50 = arith.constant 16 : i32
      %mul3A_51 = arith.muli %add3A_49, %mul3A_50 : i32
      %swap3A_52 = arith.index_cast %mul3A_51 : i32 to index
      %swap3A_53 = tpu.vector_load %arg5[%swap3A_52] {strides = array<i32>} : memref<6656xf32, #tpu.memory_space<vmem>>, vector<16xf32>,
      tpu.vector_store %arg5[%swap3A_52], %broadcast_in_dim3A_3 {strides = array<i32>} : memref<6656xf32, #tpu.memory_space<vmem>>, vector<16xf32>,
      %mul3A_54 = arith.constant 16 : i32
      %mul3A_55 = arith.muli %scan3A_29, %mul3A_54 : i32
      %add3A_56 = arith.constant 3 : i32
      %add3A_57 = arith.addi %mul3A_55, %add3A_56 : i32
      %mul3A_58 = arith.constant 16 : i32
      %mul3A_59 = arith.muli %add3A_57, %mul3A_58 : i32
      %swap3A_60 = arith.index_cast %mul3A_59 : i32 to index
      %swap3A_61 = tpu.vector_load %arg5[%swap3A_60] {strides = array<i32>} : memref<6656xf32, #tpu.memory_space<vmem>>, vector<16xf32>,
      tpu.vector_store %arg5[%swap3A_60], %broadcast_in_dim3A_3 {strides = array<i32>} : memref<6656xf32, #tpu.memory_space<vmem>>, vector<16xf32>,
      %mul3A_62 = arith.constant 16 : i32
      %mul3A_63 = arith.muli %scan3A_29, %mul3A_62 : i32
      %add3A_64 = arith.constant 4 : i32
      %add3A_65 = arith.addi %mul3A_63, %add3A_64 : i32
      %mul3A_66 = arith.constant 16 : i32
      %mul3A_67 = arith.muli %add3A_65, %mul3A_66 : i32
      %swap3A_68 = arith.index_cast %mul3A_67 : i32 to index
      %swap3A_69 = tpu.vector_load %arg5[%swap3A_68] {strides = array<i32>} : memref<6656xf32, #tpu.memory_space<vmem>>, vector<16xf32>,
      tpu.vector_store %arg5[%swap3A_68], %broadcast_in_dim3A_3 {strides = array<i32>} : memref<6656xf32, #tpu.memory_space<vmem>>, vector<16xf32>,
      %mul3A_70 = arith.constant 16 : i32
      %mul3A_71 = arith.muli %scan3A_29, %mul3A_70 : i32
      %add3A_72 = arith.constant 5 : i32
      %add3A_73 = arith.addi %mul3A_71, %add3A_72 : i32
      %mul3A_74 = arith.constant 16 : i32
      %mul3A_75 = arith.muli %add3A_73, %mul3A_74 : i32
      %swap3A_76 = arith.index_cast %mul3A_75 : i32 to index
      %swap3A_77 = tpu.vector_load %arg5[%swap3A_76] {strides = array<i32>} : memref<6656xf32, #tpu.memory_space<vmem>>, vector<16xf32>,
      tpu.vector_store %arg5[%swap3A_76], %broadcast_in_dim3A_3 {strides = array<i32>} : memref<6656xf32, #tpu.memory_space<vmem>>, vector<16xf32>,
      %mul3A_78 = arith.constant 16 : i32
      %mul3A_79 = arith.muli %scan3A_29, %mul3A_78 : i32
      %add3A_80 = arith.constant 6 : i32
      %add3A_81 = arith.addi %mul3A_79, %add3A_80 : i32
      %mul3A_82 = arith.constant 16 : i32
      %mul3A_83 = arith.muli %add3A_81, %mul3A_82 : i32
      %swap3A_84 = arith.index_cast %mul3A_83 : i32 to index
      %swap3A_85 = tpu.vector_load %arg5[%swap3A_84] {strides = array<i32>} : memref<6656xf32, #tpu.memory_space<vmem>>, vector<16xf32>,
      tpu.vector_store %arg5[%swap3A_84], %broadcast_in_dim3A_3 {strides = array<i32>} : memref<6656xf32, #tpu.memory_space<vmem>>, vector<16xf32>,
      %mul3A_86 = arith.constant 16 : i32
      %mul3A_87 = arith.muli %scan3A_29, %mul3A_86 : i32
      %add3A_88 = arith.constant 7 : i32
      %add3A_89 = arith.addi %mul3A_87, %add3A_88 : i32
      %mul3A_90 = arith.constant 16 : i32
      %mul3A_91 = arith.muli %add3A_89, %mul3A_90 : i32
      %swap3A_92 = arith.index_cast %mul3A_91 : i32 to index
      %swap3A_93 = tpu.vector_load %arg5[%swap3A_92] {strides = array<i32>} : memref<6656xf32, #tpu.memory_space<vmem>>, vector<16xf32>,
      tpu.vector_store %arg5[%swap3A_92], %broadcast_in_dim3A_3 {strides = array<i32>} : memref<6656xf32, #tpu.memory_space<vmem>>, vector<16xf32>,
      %mul3A_94 = arith.constant 16 : i32
      %mul3A_95 = arith.muli %scan3A_29, %mul3A_94 : i32
      %add3A_96 = arith.constant 8 : i32
      %add3A_97 = arith.addi %mul3A_95, %add3A_96 : i32
      %mul3A_98 = arith.constant 16 : i32
      %mul3A_99 = arith.muli %add3A_97, %mul3A_98 : i32
      %swap3A_100 = arith.index_cast %mul3A_99 : i32 to index
      %swap3A_101 = tpu.vector_load %arg5[%swap3A_100] {strides = array<i32>} : memref<6656xf32, #tpu.memory_space<vmem>>, vector<16xf32>,
      tpu.vector_store %arg5[%swap3A_100], %broadcast_in_dim3A_3 {strides = array<i32>} : memref<6656xf32, #tpu.memory_space<vmem>>, vector<16xf32>,
      %mul3A_102 = arith.constant 16 : i32
      %mul3A_103 = arith.muli %scan3A_29, %mul3A_102 : i32
      %add3A_104 = arith.constant 9 : i32
      %add3A_105 = arith.addi %mul3A_103, %add3A_104 : i32
      %mul3A_106 = arith.constant 16 : i32
      %mul3A_107 = arith.muli %add3A_105, %mul3A_106 : i32
      %swap3A_108 = arith.index_cast %mul3A_107 : i32 to index
      %swap3A_109 = tpu.vector_load %arg5[%swap3A_108] {strides = array<i32>} : memref<6656xf32, #tpu.memory_space<vmem>>, vector<16xf32>,
      tpu.vector_store %arg5[%swap3A_108], %broadcast_in_dim3A_3 {strides = array<i32>} : memref<6656xf32, #tpu.memory_space<vmem>>, vector<16xf32>,
      %mul3A_110 = arith.constant 16 : i32
      %mul3A_111 = arith.muli %scan3A_29, %mul3A_110 : i32
      %add3A_112 = arith.constant 10 : i32
      %add3A_113 = arith.addi %mul3A_111, %add3A_112 : i32
      %mul3A_114 = arith.constant 16 : i32
      %mul3A_115 = arith.muli %add3A_113, %mul3A_114 : i32
      %swap3A_116 = arith.index_cast %mul3A_115 : i32 to index
      %swap3A_117 = tpu.vector_load %arg5[%swap3A_116] {strides = array<i32>} : memref<6656xf32, #tpu.memory_space<vmem>>, vector<16xf32>,
      tpu.vector_store %arg5[%swap3A_116], %broadcast_in_dim3A_3 {strides = array<i32>} : memref<6656xf32, #tpu.memory_space<vmem>>, vector<16xf32>,
      %mul3A_118 = arith.constant 16 : i32
      %mul3A_119 = arith.muli %scan3A_29, %mul3A_118 : i32
      %add3A_120 = arith.constant 11 : i32
      %add3A_121 = arith.addi %mul3A_119, %add3A_120 : i32
      %mul3A_122 = arith.constant 16 : i32
      %mul3A_123 = arith.muli %add3A_121, %mul3A_122 : i32
      %swap3A_124 = arith.index_cast %mul3A_123 : i32 to index
      %swap3A_125 = tpu.vector_load %arg5[%swap3A_124] {strides = array<i32>} : memref<6656xf32, #tpu.memory_space<vmem>>, vector<16xf32>,
      tpu.vector_store %arg5[%swap3A_124], %broadcast_in_dim3A_3 {strides = array<i32>} : memref<6656xf32, #tpu.memory_space<vmem>>, vector<16xf32>,
      %mul3A_126 = arith.constant 16 : i32
      %mul3A_127 = arith.muli %scan3A_29, %mul3A_126 : i32
      %add3A_128 = arith.constant 12 : i32
      %add3A_129 = arith.addi %mul3A_127, %add3A_128 : i32
      %mul3A_130 = arith.constant 16 : i32
      %mul3A_131 = arith.muli %add3A_129, %mul3A_130 : i32
      %swap3A_132 = arith.index_cast %mul3A_131 : i32 to index
      %swap3A_133 = tpu.vector_load %arg5[%swap3A_132] {strides = array<i32>} : memref<6656xf32, #tpu.memory_space<vmem>>, vector<16xf32>,
      tpu.vector_store %arg5[%swap3A_132], %broadcast_in_dim3A_3 {strides = array<i32>} : memref<6656xf32, #tpu.memory_space<vmem>>, vector<16xf32>,
      %mul3A_134 = arith.constant 16 : i32
      %mul3A_135 = arith.muli %scan3A_29, %mul3A_134 : i32
      %add3A_136 = arith.constant 13 : i32
      %add3A_137 = arith.addi %mul3A_135, %add3A_136 : i32
      %mul3A_138 = arith.constant 16 : i32
      %mul3A_139 = arith.muli %add3A_137, %mul3A_138 : i32
      %swap3A_140 = arith.index_cast %mul3A_139 : i32 to index
      %swap3A_141 = tpu.vector_load %arg5[%swap3A_140] {strides = array<i32>} : memref<6656xf32, #tpu.memory_space<vmem>>, vector<16xf32>,
      tpu.vector_store %arg5[%swap3A_140], %broadcast_in_dim3A_3 {strides = array<i32>} : memref<6656xf32, #tpu.memory_space<vmem>>, vector<16xf32>,
      %mul3A_142 = arith.constant 16 : i32
      %mul3A_143 = arith.muli %scan3A_29, %mul3A_142 : i32
      %add3A_144 = arith.constant 14 : i32
      %add3A_145 = arith.addi %mul3A_143, %add3A_144 : i32
      %mul3A_146 = arith.constant 16 : i32
      %mul3A_147 = arith.muli %add3A_145, %mul3A_146 : i32
      %swap3A_148 = arith.index_cast %mul3A_147 : i32 to index
      %swap3A_149 = tpu.vector_load %arg5[%swap3A_148] {strides = array<i32>} : memref<6656xf32, #tpu.memory_space<vmem>>, vector<16xf32>,
      tpu.vector_store %arg5[%swap3A_148], %broadcast_in_dim3A_3 {strides = array<i32>} : memref<6656xf32, #tpu.memory_space<vmem>>, vector<16xf32>,
      %mul3A_150 = arith.constant 16 : i32
      %mul3A_151 = arith.muli %scan3A_29, %mul3A_150 : i32
      %add3A_152 = arith.constant 15 : i32
      %add3A_153 = arith.addi %mul3A_151, %add3A_152 : i32
      %mul3A_154 = arith.constant 16 : i32
      %mul3A_155 = arith.muli %add3A_153, %mul3A_154 : i32
      %swap3A_156 = arith.index_cast %mul3A_155 : i32 to index
      %swap3A_157 = tpu.vector_load %arg5[%swap3A_156] {strides = array<i32>} : memref<6656xf32, #tpu.memory_space<vmem>>, vector<16xf32>,
      tpu.vector_store %arg5[%swap3A_156], %broadcast_in_dim3A_3 {strides = array<i32>} : memref<6656xf32, #tpu.memory_space<vmem>>, vector<16xf32>,
      %scan3A_158 = arith.constant 0 : i32
      scf.yield %scan3A_158 : i32
    }
    %scan3A_14 = arith.constant 26 : i32
    %scan3A_15 = arith.constant 0 : i32
    %scan3A_16 = arith.constant 0 : i32
    %scan3A_17 = arith.constant 14 : i32
    %scan3A_18 = arith.addi %scan3A_16, %scan3A_17 : i32
    %scan3A_19 = arith.constant 1 : i32
    %scan3A_20 = scf.for %scan3A_29 = %scan3A_16 to %scan3A_18 step %scan3A_19 iter_args(%scan3A_30 = %scan3A_15) -> (i32)  : i32 {
      %mul3A_31 = arith.constant 7 : i32
      %mul3A_32 = arith.muli %scan3A_29, %mul3A_31 : i32
      %add3A_33 = arith.constant 0 : i32
      %add3A_34 = arith.addi %mul3A_32, %add3A_33 : i32
      %mul3A_35 = arith.constant 16 : i32
      %mul3A_36 = arith.muli %add3A_34, %mul3A_35 : i32
      %get3A = arith.index_cast %mul3A_36 : i32 to index
      %get3A_37 = tpu.vector_load %arg4[%get3A] {strides = array<i32>} : memref<1568xi32, #tpu.memory_space<vmem>>, vector<16xi32>,
      %add3A_38 = arith.addi %mul3A_8, %get3A_37 : vector<16xi32>
      tpu.vector_store_idx %arg5[%add3A_38], %broadcast_in_dim3A_5 {add = true} : memref<6656xf32, #tpu.memory_space<vmem>>[vector<16xi32>], vector<16xf32>,
      %mul3A_39 = arith.constant 7 : i32
      %mul3A_40 = arith.muli %scan3A_29, %mul3A_39 : i32
      %add3A_41 = arith.constant 1 : i32
      %add3A_42 = arith.addi %mul3A_40, %add3A_41 : i32
      %mul3A_43 = arith.constant 16 : i32
      %mul3A_44 = arith.muli %add3A_42, %mul3A_43 : i32
      %get3A_45 = arith.index_cast %mul3A_44 : i32 to index
      %get3A_46 = tpu.vector_load %arg4[%get3A_45] {strides = array<i32>} : memref<1568xi32, #tpu.memory_space<vmem>>, vector<16xi32>,
      %add3A_47 = arith.addi %mul3A_8, %get3A_46 : vector<16xi32>
      tpu.vector_store_idx %arg5[%add3A_47], %broadcast_in_dim3A_5 {add = true} : memref<6656xf32, #tpu.memory_space<vmem>>[vector<16xi32>], vector<16xf32>,
      %mul3A_48 = arith.constant 7 : i32
      %mul3A_49 = arith.muli %scan3A_29, %mul3A_48 : i32
      %add3A_50 = arith.constant 2 : i32
      %add3A_51 = arith.addi %mul3A_49, %add3A_50 : i32
      %mul3A_52 = arith.constant 16 : i32
      %mul3A_53 = arith.muli %add3A_51, %mul3A_52 : i32
      %get3A_54 = arith.index_cast %mul3A_53 : i32 to index
      %get3A_55 = tpu.vector_load %arg4[%get3A_54] {strides = array<i32>} : memref<1568xi32, #tpu.memory_space<vmem>>, vector<16xi32>,
      %add3A_56 = arith.addi %mul3A_8, %get3A_55 : vector<16xi32>
      tpu.vector_store_idx %arg5[%add3A_56], %broadcast_in_dim3A_5 {add = true} : memref<6656xf32, #tpu.memory_space<vmem>>[vector<16xi32>], vector<16xf32>,
      %mul3A_57 = arith.constant 7 : i32
      %mul3A_58 = arith.muli %scan3A_29, %mul3A_57 : i32
      %add3A_59 = arith.constant 3 : i32
      %add3A_60 = arith.addi %mul3A_58, %add3A_59 : i32
      %mul3A_61 = arith.constant 16 : i32
      %mul3A_62 = arith.muli %add3A_60, %mul3A_61 : i32
      %get3A_63 = arith.index_cast %mul3A_62 : i32 to index
      %get3A_64 = tpu.vector_load %arg4[%get3A_63] {strides = array<i32>} : memref<1568xi32, #tpu.memory_space<vmem>>, vector<16xi32>,
      %add3A_65 = arith.addi %mul3A_8, %get3A_64 : vector<16xi32>
      tpu.vector_store_idx %arg5[%add3A_65], %broadcast_in_dim3A_5 {add = true} : memref<6656xf32, #tpu.memory_space<vmem>>[vector<16xi32>], vector<16xf32>,
      %mul3A_66 = arith.constant 7 : i32
      %mul3A_67 = arith.muli %scan3A_29, %mul3A_66 : i32
      %add3A_68 = arith.constant 4 : i32
      %add3A_69 = arith.addi %mul3A_67, %add3A_68 : i32
      %mul3A_70 = arith.constant 16 : i32
      %mul3A_71 = arith.muli %add3A_69, %mul3A_70 : i32
      %get3A_72 = arith.index_cast %mul3A_71 : i32 to index
      %get3A_73 = tpu.vector_load %arg4[%get3A_72] {strides = array<i32>} : memref<1568xi32, #tpu.memory_space<vmem>>, vector<16xi32>,
      %add3A_74 = arith.addi %mul3A_8, %get3A_73 : vector<16xi32>
      tpu.vector_store_idx %arg5[%add3A_74], %broadcast_in_dim3A_5 {add = true} : memref<6656xf32, #tpu.memory_space<vmem>>[vector<16xi32>], vector<16xf32>,
      %mul3A_75 = arith.constant 7 : i32
      %mul3A_76 = arith.muli %scan3A_29, %mul3A_75 : i32
      %add3A_77 = arith.constant 5 : i32
      %add3A_78 = arith.addi %mul3A_76, %add3A_77 : i32
      %mul3A_79 = arith.constant 16 : i32
      %mul3A_80 = arith.muli %add3A_78, %mul3A_79 : i32
      %get3A_81 = arith.index_cast %mul3A_80 : i32 to index
      %get3A_82 = tpu.vector_load %arg4[%get3A_81] {strides = array<i32>} : memref<1568xi32, #tpu.memory_space<vmem>>, vector<16xi32>,
      %add3A_83 = arith.addi %mul3A_8, %get3A_82 : vector<16xi32>
      tpu.vector_store_idx %arg5[%add3A_83], %broadcast_in_dim3A_5 {add = true} : memref<6656xf32, #tpu.memory_space<vmem>>[vector<16xi32>], vector<16xf32>,
      %mul3A_84 = arith.constant 7 : i32
      %mul3A_85 = arith.muli %scan3A_29, %mul3A_84 : i32
      %add3A_86 = arith.constant 6 : i32
      %add3A_87 = arith.addi %mul3A_85, %add3A_86 : i32
      %mul3A_88 = arith.constant 16 : i32
      %mul3A_89 = arith.muli %add3A_87, %mul3A_88 : i32
      %get3A_90 = arith.index_cast %mul3A_89 : i32 to index
      %get3A_91 = tpu.vector_load %arg4[%get3A_90] {strides = array<i32>} : memref<1568xi32, #tpu.memory_space<vmem>>, vector<16xi32>,
      %add3A_92 = arith.addi %mul3A_8, %get3A_91 : vector<16xi32>
      tpu.vector_store_idx %arg5[%add3A_92], %broadcast_in_dim3A_5 {add = true} : memref<6656xf32, #tpu.memory_space<vmem>>[vector<16xi32>], vector<16xf32>,
      %scan3A_93 = arith.constant 0 : i32
      scf.yield %scan3A_93 : i32
    }
    %scan3A_21 = arith.constant 14 : i32
    %scan3A_22 = arith.constant 0 : i32
    %scan3A_23 = arith.constant 0 : i32
    %scan3A_24 = arith.constant 26 : i32
    %scan3A_25 = arith.addi %scan3A_23, %scan3A_24 : i32
    %scan3A_26 = arith.constant 1 : i32
    %scan3A_27 = scf.for %scan3A_29 = %scan3A_23 to %scan3A_25 step %scan3A_26 iter_args(%scan3A_30 = %scan3A_22) -> (i32)  : i32 {
      %mul3A_31 = arith.constant 16 : i32
      %mul3A_32 = arith.muli %scan3A_29, %mul3A_31 : i32
      %get3A = arith.index_cast %mul3A_32 : i32 to index
      %get3A_33 = tpu.vector_load %arg5[%get3A] {strides = array<i32>} : memref<6656xf32, #tpu.memory_space<vmem>>, vector<16xf32>,
      %mul3A_34 = arith.constant 16 : i32
      %mul3A_35 = arith.muli %scan3A_29, %mul3A_34 : i32
      %add3A_36 = arith.constant 416 : i32
      %add3A_37 = arith.addi %mul3A_35, %add3A_36 : i32
      %get3A_38 = arith.index_cast %add3A_37 : i32 to index
      %get3A_39 = tpu.vector_load %arg5[%get3A_38] {strides = array<i32>} : memref<6656xf32, #tpu.memory_space<vmem>>, vector<16xf32>,
      %add3A_40 = arith.addf %get3A_33, %get3A_39 : vector<16xf32>
      %mul3A_41 = arith.constant 16 : i32
      %mul3A_42 = arith.muli %scan3A_29, %mul3A_41 : i32
      %add3A_43 = arith.constant 832 : i32
      %add3A_44 = arith.addi %mul3A_42, %add3A_43 : i32
      %get3A_45 = arith.index_cast %add3A_44 : i32 to index
      %get3A_46 = tpu.vector_load %arg5[%get3A_45] {strides = array<i32>} : memref<6656xf32, #tpu.memory_space<vmem>>, vector<16xf32>,
      %add3A_47 = arith.addf %add3A_40, %get3A_46 : vector<16xf32>
      %mul3A_48 = arith.constant 16 : i32
      %mul3A_49 = arith.muli %scan3A_29, %mul3A_48 : i32
      %add3A_50 = arith.constant 1248 : i32
      %add3A_51 = arith.addi %mul3A_49, %add3A_50 : i32
      %get3A_52 = arith.index_cast %add3A_51 : i32 to index
      %get3A_53 = tpu.vector_load %arg5[%get3A_52] {strides = array<i32>} : memref<6656xf32, #tpu.memory_space<vmem>>, vector<16xf32>,
      %add3A_54 = arith.addf %add3A_47, %get3A_53 : vector<16xf32>
      %mul3A_55 = arith.constant 16 : i32
      %mul3A_56 = arith.muli %scan3A_29, %mul3A_55 : i32
      %add3A_57 = arith.constant 1664 : i32
      %add3A_58 = arith.addi %mul3A_56, %add3A_57 : i32
      %get3A_59 = arith.index_cast %add3A_58 : i32 to index
      %get3A_60 = tpu.vector_load %arg5[%get3A_59] {strides = array<i32>} : memref<6656xf32, #tpu.memory_space<vmem>>, vector<16xf32>,
      %add3A_61 = arith.addf %add3A_54, %get3A_60 : vector<16xf32>
      %mul3A_62 = arith.constant 16 : i32
      %mul3A_63 = arith.muli %scan3A_29, %mul3A_62 : i32
      %add3A_64 = arith.constant 2080 : i32
      %add3A_65 = arith.addi %mul3A_63, %add3A_64 : i32
      %get3A_66 = arith.index_cast %add3A_65 : i32 to index
      %get3A_67 = tpu.vector_load %arg5[%get3A_66] {strides = array<i32>} : memref<6656xf32, #tpu.memory_space<vmem>>, vector<16xf32>,
      %add3A_68 = arith.addf %add3A_61, %get3A_67 : vector<16xf32>
      %mul3A_69 = arith.constant 16 : i32
      %mul3A_70 = arith.muli %scan3A_29, %mul3A_69 : i32
      %add3A_71 = arith.constant 2496 : i32
      %add3A_72 = arith.addi %mul3A_70, %add3A_71 : i32
      %get3A_73 = arith.index_cast %add3A_72 : i32 to index
      %get3A_74 = tpu.vector_load %arg5[%get3A_73] {strides = array<i32>} : memref<6656xf32, #tpu.memory_space<vmem>>, vector<16xf32>,
      %add3A_75 = arith.addf %add3A_68, %get3A_74 : vector<16xf32>
      %mul3A_76 = arith.constant 16 : i32
      %mul3A_77 = arith.muli %scan3A_29, %mul3A_76 : i32
      %add3A_78 = arith.constant 2912 : i32
      %add3A_79 = arith.addi %mul3A_77, %add3A_78 : i32
      %get3A_80 = arith.index_cast %add3A_79 : i32 to index
      %get3A_81 = tpu.vector_load %arg5[%get3A_80] {strides = array<i32>} : memref<6656xf32, #tpu.memory_space<vmem>>, vector<16xf32>,
      %add3A_82 = arith.addf %add3A_75, %get3A_81 : vector<16xf32>
      %mul3A_83 = arith.constant 16 : i32
      %mul3A_84 = arith.muli %scan3A_29, %mul3A_83 : i32
      %add3A_85 = arith.constant 3328 : i32
      %add3A_86 = arith.addi %mul3A_84, %add3A_85 : i32
      %get3A_87 = arith.index_cast %add3A_86 : i32 to index
      %get3A_88 = tpu.vector_load %arg5[%get3A_87] {strides = array<i32>} : memref<6656xf32, #tpu.memory_space<vmem>>, vector<16xf32>,
      %add3A_89 = arith.addf %add3A_82, %get3A_88 : vector<16xf32>
      %mul3A_90 = arith.constant 16 : i32
      %mul3A_91 = arith.muli %scan3A_29, %mul3A_90 : i32
      %add3A_92 = arith.constant 3744 : i32
      %add3A_93 = arith.addi %mul3A_91, %add3A_92 : i32
      %get3A_94 = arith.index_cast %add3A_93 : i32 to index
      %get3A_95 = tpu.vector_load %arg5[%get3A_94] {strides = array<i32>} : memref<6656xf32, #tpu.memory_space<vmem>>, vector<16xf32>,
      %add3A_96 = arith.addf %add3A_89, %get3A_95 : vector<16xf32>
      %mul3A_97 = arith.constant 16 : i32
      %mul3A_98 = arith.muli %scan3A_29, %mul3A_97 : i32
      %add3A_99 = arith.constant 4160 : i32
      %add3A_100 = arith.addi %mul3A_98, %add3A_99 : i32
      %get3A_101 = arith.index_cast %add3A_100 : i32 to index
      %get3A_102 = tpu.vector_load %arg5[%get3A_101] {strides = array<i32>} : memref<6656xf32, #tpu.memory_space<vmem>>, vector<16xf32>,
      %add3A_103 = arith.addf %add3A_96, %get3A_102 : vector<16xf32>
      %mul3A_104 = arith.constant 16 : i32
      %mul3A_105 = arith.muli %scan3A_29, %mul3A_104 : i32
      %add3A_106 = arith.constant 4576 : i32
      %add3A_107 = arith.addi %mul3A_105, %add3A_106 : i32
      %get3A_108 = arith.index_cast %add3A_107 : i32 to index
      %get3A_109 = tpu.vector_load %arg5[%get3A_108] {strides = array<i32>} : memref<6656xf32, #tpu.memory_space<vmem>>, vector<16xf32>,
      %add3A_110 = arith.addf %add3A_103, %get3A_109 : vector<16xf32>
      %mul3A_111 = arith.constant 16 : i32
      %mul3A_112 = arith.muli %scan3A_29, %mul3A_111 : i32
      %add3A_113 = arith.constant 4992 : i32
      %add3A_114 = arith.addi %mul3A_112, %add3A_113 : i32
      %get3A_115 = arith.index_cast %add3A_114 : i32 to index
      %get3A_116 = tpu.vector_load %arg5[%get3A_115] {strides = array<i32>} : memref<6656xf32, #tpu.memory_space<vmem>>, vector<16xf32>,
      %add3A_117 = arith.addf %add3A_110, %get3A_116 : vector<16xf32>
      %mul3A_118 = arith.constant 16 : i32
      %mul3A_119 = arith.muli %scan3A_29, %mul3A_118 : i32
      %add3A_120 = arith.constant 5408 : i32
      %add3A_121 = arith.addi %mul3A_119, %add3A_120 : i32
      %get3A_122 = arith.index_cast %add3A_121 : i32 to index
      %get3A_123 = tpu.vector_load %arg5[%get3A_122] {strides = array<i32>} : memref<6656xf32, #tpu.memory_space<vmem>>, vector<16xf32>,
      %add3A_124 = arith.addf %add3A_117, %get3A_123 : vector<16xf32>
      %mul3A_125 = arith.constant 16 : i32
      %mul3A_126 = arith.muli %scan3A_29, %mul3A_125 : i32
      %add3A_127 = arith.constant 5824 : i32
      %add3A_128 = arith.addi %mul3A_126, %add3A_127 : i32
      %get3A_129 = arith.index_cast %add3A_128 : i32 to index
      %get3A_130 = tpu.vector_load %arg5[%get3A_129] {strides = array<i32>} : memref<6656xf32, #tpu.memory_space<vmem>>, vector<16xf32>,
      %add3A_131 = arith.addf %add3A_124, %get3A_130 : vector<16xf32>
      %mul3A_132 = arith.constant 16 : i32
      %mul3A_133 = arith.muli %scan3A_29, %mul3A_132 : i32
      %add3A_134 = arith.constant 6240 : i32
      %add3A_135 = arith.addi %mul3A_133, %add3A_134 : i32
      %get3A_136 = arith.index_cast %add3A_135 : i32 to index
      %get3A_137 = tpu.vector_load %arg5[%get3A_136] {strides = array<i32>} : memref<6656xf32, #tpu.memory_space<vmem>>, vector<16xf32>,
      %add3A_138 = arith.addf %add3A_131, %get3A_137 : vector<16xf32>
      %mul3A_139 = arith.constant 16 : i32
      %mul3A_140 = arith.muli %scan3A_29, %mul3A_139 : i32
      %swap3A = arith.index_cast %mul3A_140 : i32 to index
      %swap3A_141 = tpu.vector_load %arg6[%swap3A] {strides = array<i32>} : memref<416xf32, #tpu.memory_space<vmem>>, vector<16xf32>,
      tpu.vector_store %arg6[%swap3A], %add3A_138 {strides = array<i32>} : memref<416xf32, #tpu.memory_space<vmem>>, vector<16xf32>,
      %scan3A_142 = arith.constant 0 : i32
      scf.yield %scan3A_142 : i32
    }
    %scan3A_28 = arith.constant 26 : i32
    "tpu.region"() ({
      %run_scoped3A = tpu.sem_alloc : memref<!tpu.dma_semaphore, #tpu.memory_space<semaphore_mem>>
      %dma_start3A = arith.constant 0 : i32
      %dma_start3A_29 = tpu.memref_slice %arg3[%add3A, %dma_start3A] : memref<32x416xf32, #tpu.memory_space<hbm>> -> memref<1x416xf32, #tpu.memory_space<hbm>>
      %dma_start3A_30 = tpu.memref_squeeze %dma_start3A_29 : memref<1x416xf32, #tpu.memory_space<hbm>> -> memref<416xf32, #tpu.memory_space<hbm>>
      %dma_start3A_31 = arith.constant 0 : i32
      %dma_start3A_32 = tpu.memref_slice %arg3[%add3A, %dma_start3A_31] : memref<32x416xf32, #tpu.memory_space<hbm>> -> memref<1x416xf32, #tpu.memory_space<hbm>>
      %dma_start3A_33 = tpu.memref_squeeze %dma_start3A_32 : memref<1x416xf32, #tpu.memory_space<hbm>> -> memref<416xf32, #tpu.memory_space<hbm>>
      tpu.enqueue_dma source(%arg6 : memref<416xf32, #tpu.memory_space<vmem>>) target(%dma_start3A_33 : memref<416xf32, #tpu.memory_space<hbm>>) target_semaphore(%run_scoped3A : memref<!tpu.dma_semaphore, #tpu.memory_space<semaphore_mem>>)
      %dma_wait3A = arith.constant 0 : i32
      %dma_wait3A_34 = tpu.memref_slice %arg3[%add3A, %dma_wait3A] : memref<32x416xf32, #tpu.memory_space<hbm>> -> memref<1x416xf32, #tpu.memory_space<hbm>>
      %dma_wait3A_35 = tpu.memref_squeeze %dma_wait3A_34 : memref<1x416xf32, #tpu.memory_space<hbm>> -> memref<416xf32, #tpu.memory_space<hbm>>
      %dma_wait3A_36 = arith.constant 0 : i32
      %dma_wait3A_37 = tpu.memref_slice %arg3[%add3A, %dma_wait3A_36] : memref<32x416xf32, #tpu.memory_space<hbm>> -> memref<1x416xf32, #tpu.memory_space<hbm>>
      %dma_wait3A_38 = tpu.memref_squeeze %dma_wait3A_37 : memref<1x416xf32, #tpu.memory_space<hbm>> -> memref<416xf32, #tpu.memory_space<hbm>>
      tpu.wait_dma2 semaphore(%run_scoped3A : memref<!tpu.dma_semaphore, #tpu.memory_space<semaphore_mem>>) src(%arg6 : memref<416xf32, #tpu.memory_space<vmem>>) dst(%dma_wait3A_38 : memref<416xf32, #tpu.memory_space<hbm>>)
      tpu.yield
    }) : () -> ()
    return
  }
}

module attributes {stable_mosaic.version = 14 : i64} {
  func.func @_match_body(%arg0: i32, %arg1: memref<4x1792xf32, #tpu.memory_space<vmem>>, %arg2: memref<400x4xf32, #tpu.memory_space<vmem>>, %arg3: memref<1x1792xi32, #tpu.memory_space<vmem>>) attributes {dimension_semantics = [#tpu.dimension_semantics<arbitrary>], iteration_bounds = array<i64: 28>, scalar_prefetch = 0 : i64, scratch_operands = 0 : i64, tpu.core_type = #tpu.core_type<tc>, window_params = [{transform_indices = @transform_0, window_bounds = array<i64: 4, 1792>}, {pipeline_mode = #tpu.pipeline_mode<synchronous>, transform_indices = @transform_1, window_bounds = array<i64: 400, 4>}, {transform_indices = @transform_2, window_bounds = array<i64: 1, 1792>}]} {
    %get3A = arith.constant 0 : index
    %get3A_0 = arith.constant 0 : index
    %get3A_1 = vector.load %arg1[%get3A, %get3A_0] : memref<4x1792xf32, #tpu.memory_space<vmem>>, vector<4x1792xf32>
    %get3A_2 = arith.constant 0 : index
    %get3A_3 = arith.constant 0 : index
    %get3A_4 = vector.load %arg2[%get3A_2, %get3A_3] : memref<400x4xf32, #tpu.memory_space<vmem>>, vector<400x4xf32>
    %slice3A = vector.extract_strided_slice %get3A_1 {offsets = [0, 0], sizes = [1, 1792], strides = [1, 1]} : vector<4x1792xf32> to vector<1x1792xf32>
    %slice3A_5 = vector.extract_strided_slice %get3A_1 {offsets = [1, 0], sizes = [1, 1792], strides = [1, 1]} : vector<4x1792xf32> to vector<1x1792xf32>
    %slice3A_6 = vector.extract_strided_slice %get3A_1 {offsets = [2, 0], sizes = [1, 1792], strides = [1, 1]} : vector<4x1792xf32> to vector<1x1792xf32>
    %slice3A_7 = vector.extract_strided_slice %get3A_1 {offsets = [3, 0], sizes = [1, 1792], strides = [1, 1]} : vector<4x1792xf32> to vector<1x1792xf32>
    %slice3A_8 = vector.extract_strided_slice %get3A_4 {offsets = [0, 0], sizes = [400, 1], strides = [1, 1]} : vector<400x4xf32> to vector<400x1xf32>
    %slice3A_9 = vector.extract_strided_slice %get3A_4 {offsets = [0, 1], sizes = [400, 1], strides = [1, 1]} : vector<400x4xf32> to vector<400x1xf32>
    %slice3A_10 = vector.extract_strided_slice %get3A_4 {offsets = [0, 2], sizes = [400, 1], strides = [1, 1]} : vector<400x4xf32> to vector<400x1xf32>
    %slice3A_11 = vector.extract_strided_slice %get3A_4 {offsets = [0, 3], sizes = [400, 1], strides = [1, 1]} : vector<400x4xf32> to vector<400x1xf32>
    %sub3A = arith.subf %slice3A_6, %slice3A : vector<1x1792xf32>
    %sub3A_12 = arith.subf %slice3A_7, %slice3A_5 : vector<1x1792xf32>
    %mul3A = arith.mulf %sub3A, %sub3A_12 : vector<1x1792xf32>
    %sub3A_13 = arith.subf %slice3A_10, %slice3A_8 : vector<400x1xf32>
    %sub3A_14 = arith.subf %slice3A_11, %slice3A_9 : vector<400x1xf32>
    %mul3A_15 = arith.mulf %sub3A_13, %sub3A_14 : vector<400x1xf32>
    %min3A = vector.broadcast %slice3A_6 : vector<1x1792xf32> to vector<400x1792xf32>
    %min3A_16 = vector.broadcast %slice3A_10 : vector<400x1xf32> to vector<400x1792xf32>
    %min3A_17 = arith.minimumf %min3A, %min3A_16 : vector<400x1792xf32>
    %max3A = vector.broadcast %slice3A : vector<1x1792xf32> to vector<400x1792xf32>
    %max3A_18 = vector.broadcast %slice3A_8 : vector<400x1xf32> to vector<400x1792xf32>
    %max3A_19 = arith.maximumf %max3A, %max3A_18 : vector<400x1792xf32>
    %sub3A_20 = arith.subf %min3A_17, %max3A_19 : vector<400x1792xf32>
    %max3A_21 = arith.constant 0.000000e+00 : f32
    %max3A_22 = vector.broadcast %max3A_21 : f32 to vector<400x1792xf32>
    %max3A_23 = arith.maximumf %sub3A_20, %max3A_22 : vector<400x1792xf32>
    %min3A_24 = vector.broadcast %slice3A_7 : vector<1x1792xf32> to vector<400x1792xf32>
    %min3A_25 = vector.broadcast %slice3A_11 : vector<400x1xf32> to vector<400x1792xf32>
    %min3A_26 = arith.minimumf %min3A_24, %min3A_25 : vector<400x1792xf32>
    %max3A_27 = vector.broadcast %slice3A_5 : vector<1x1792xf32> to vector<400x1792xf32>
    %max3A_28 = vector.broadcast %slice3A_9 : vector<400x1xf32> to vector<400x1792xf32>
    %max3A_29 = arith.maximumf %max3A_27, %max3A_28 : vector<400x1792xf32>
    %sub3A_30 = arith.subf %min3A_26, %max3A_29 : vector<400x1792xf32>
    %max3A_31 = arith.constant 0.000000e+00 : f32
    %max3A_32 = vector.broadcast %max3A_31 : f32 to vector<400x1792xf32>
    %max3A_33 = arith.maximumf %sub3A_30, %max3A_32 : vector<400x1792xf32>
    %mul3A_34 = arith.mulf %max3A_23, %max3A_33 : vector<400x1792xf32>
    %add3A = vector.broadcast %mul3A : vector<1x1792xf32> to vector<400x1792xf32>
    %add3A_35 = vector.broadcast %mul3A_15 : vector<400x1xf32> to vector<400x1792xf32>
    %add3A_36 = arith.addf %add3A, %add3A_35 : vector<400x1792xf32>
    %div3A = arith.divf %mul3A_34, %add3A_36 : vector<400x1792xf32>
    %bitcast_convert_type3A = tpu.bitcast %div3A : vector<400x1792xf32> -> vector<400x1792xi32>
    %iota3A = tpu.iota {dimensions = array<i32: 0>} : vector<400x1xi32>
    %sub3A_37 = arith.constant 511 : i32
    %sub3A_38 = vector.broadcast %sub3A_37 : i32 to vector<400x1xi32>
    %sub3A_39 = arith.subi %sub3A_38, %iota3A : vector<400x1xi32>
    %and3A = arith.constant -512 : i32
    %and3A_40 = vector.broadcast %and3A : i32 to vector<400x1792xi32>
    %and3A_41 = arith.andi %bitcast_convert_type3A, %and3A_40 : vector<400x1792xi32>
    %or3A = vector.broadcast %sub3A_39 : vector<400x1xi32> to vector<400x1792xi32>
    %or3A_42 = arith.ori %and3A_41, %or3A : vector<400x1792xi32>
    %reduce_max3A = arith.constant dense<-2147483648> : vector<1792xi32>
    %reduce_max3A_43 = vector.multi_reduction <maxsi>, %or3A_42, %reduce_max3A [0] : vector<400x1792xi32> to vector<1792xi32>
    %broadcast_in_dim3A = vector.shape_cast %reduce_max3A_43 : vector<1792xi32> to vector<1x1792xi32>
    %and3A_44 = arith.constant 511 : i32
    %and3A_45 = vector.broadcast %and3A_44 : i32 to vector<1x1792xi32>
    %and3A_46 = arith.andi %broadcast_in_dim3A, %and3A_45 : vector<1x1792xi32>
    %sub3A_47 = arith.constant 511 : i32
    %sub3A_48 = vector.broadcast %sub3A_47 : i32 to vector<1x1792xi32>
    %sub3A_49 = arith.subi %sub3A_48, %and3A_46 : vector<1x1792xi32>
    %and3A_50 = arith.constant -512 : i32
    %and3A_51 = vector.broadcast %and3A_50 : i32 to vector<1x1792xi32>
    %and3A_52 = arith.andi %broadcast_in_dim3A, %and3A_51 : vector<1x1792xi32>
    %bitcast_convert_type3A_53 = tpu.bitcast %and3A_52 : vector<1x1792xi32> -> vector<1x1792xf32>
    %ge3A = arith.constant 0.333333343 : f32
    %ge3A_54 = vector.broadcast %ge3A : f32 to vector<1x1792xf32>
    %ge3A_55 = arith.cmpf oge, %bitcast_convert_type3A_53, %ge3A_54 : vector<1x1792xf32>
    %jit3A = arith.constant 400 : i32
    %broadcast_in_dim3A_56 = vector.broadcast %jit3A : i32 to vector<1x1792xi32>
    %select_n3A = arith.select %ge3A_55, %sub3A_49, %broadcast_in_dim3A_56 : vector<1x1792xi1>, vector<1x1792xi32>
    %mul3A_57 = arith.constant 1792 : i32
    %mul3A_58 = arith.muli %arg0, %mul3A_57 : i32
    %iota3A_59 = tpu.iota {dimensions = array<i32: 1>} : vector<1x1792xi32>
    %add3A_60 = vector.broadcast %mul3A_58 : i32 to vector<1x1792xi32>
    %add3A_61 = arith.addi %add3A_60, %iota3A_59 : vector<1x1792xi32>
    %lt3A = arith.constant 50000 : i32
    %lt3A_62 = vector.broadcast %lt3A : i32 to vector<1x1792xi32>
    %lt3A_63 = arith.cmpi slt, %add3A_61, %lt3A_62 : vector<1x1792xi32>
    %jit3A_64 = arith.constant 415 : i32
    %broadcast_in_dim3A_65 = vector.broadcast %jit3A_64 : i32 to vector<1x1792xi32>
    %select_n3A_66 = arith.select %lt3A_63, %select_n3A, %broadcast_in_dim3A_65 : vector<1x1792xi1>, vector<1x1792xi32>
    %swap3A = arith.constant 0 : index
    %swap3A_67 = arith.constant 0 : index
    %swap3A_68 = vector.load %arg3[%swap3A, %swap3A_67] : memref<1x1792xi32, #tpu.memory_space<vmem>>, vector<1x1792xi32>
    tpu.vector_store %arg3[%swap3A, %swap3A_67], %select_n3A_66 {strides = array<i32>} : memref<1x1792xi32, #tpu.memory_space<vmem>>, vector<1x1792xi32>,
    return
  }
  func.func @transform_0(%arg0: i32) -> (i32, i32) {
    %c0_i32 = arith.constant 0 : i32
    %c0_i32_0 = arith.constant 0 : i32
    return %c0_i32, %arg0 : i32, i32
  }
  func.func @transform_1(%arg0: i32) -> (i32, i32) {
    %c0_i32 = arith.constant 0 : i32
    %c0_i32_0 = arith.constant 0 : i32
    %c0_i32_1 = arith.constant 0 : i32
    return %c0_i32, %c0_i32_0 : i32, i32
  }
  func.func @transform_2(%arg0: i32) -> (i32, i32) {
    %c0_i32 = arith.constant 0 : i32
    %c0_i32_0 = arith.constant 0 : i32
    return %c0_i32, %arg0 : i32, i32
  }
}

module attributes {stable_mosaic.version = 14 : i64} {
  func.func @_combine_body(%arg0: memref<32x416xf32, #tpu.memory_space<vmem>>, %arg1: memref<81x408xf32, #tpu.memory_space<vmem>>, %arg2: memref<1x408xi32, #tpu.memory_space<vmem>>, %arg3: memref<4x408xf32, #tpu.memory_space<vmem>>, %arg4: memref<4x408xf32, #tpu.memory_space<vmem>>, %arg5: memref<1x4xf32, #tpu.memory_space<vmem>>) attributes {dimension_semantics = [], scalar_prefetch = 0 : i64, scratch_operands = 0 : i64, tpu.core_type = #tpu.core_type<tc>} {
    %get3A = arith.constant 0 : index
    %get3A_0 = arith.constant 0 : index
    %get3A_1 = vector.load %arg0[%get3A, %get3A_0] : memref<32x416xf32, #tpu.memory_space<vmem>>, vector<32x416xf32>
    %reduce_sum3A = arith.constant dense<0.000000e+00> : vector<416xf32>
    %reduce_sum3A_2 = vector.multi_reduction <add>, %get3A_1, %reduce_sum3A [0] : vector<32x416xf32> to vector<416xf32>
    %broadcast_in_dim3A = vector.shape_cast %reduce_sum3A_2 : vector<416xf32> to vector<1x416xf32>
    %slice3A = vector.extract_strided_slice %broadcast_in_dim3A {offsets = [0, 0], sizes = [1, 408], strides = [1, 1]} : vector<1x416xf32> to vector<1x408xf32>
    %iota3A = tpu.iota {dimensions = array<i32: 1>} : vector<1x408xi32>
    %le3A = arith.constant 400 : i32
    %le3A_3 = vector.broadcast %le3A : i32 to vector<1x408xi32>
    %le3A_4 = arith.cmpi sle, %iota3A, %le3A_3 : vector<1x408xi32>
    %jit3A = arith.constant 0.000000e+00 : f32
    %broadcast_in_dim3A_5 = vector.broadcast %jit3A : f32 to vector<1x408xf32>
    %select_n3A = arith.select %le3A_4, %slice3A, %broadcast_in_dim3A_5 : vector<1x408xi1>, vector<1x408xf32>
    %get3A_6 = arith.constant 0 : index
    %get3A_7 = arith.constant 0 : index
    %get3A_8 = vector.load %arg1[%get3A_6, %get3A_7] : memref<81x408xf32, #tpu.memory_space<vmem>>, vector<81x408xf32>
    %reduce_max3A = arith.constant dense<0xFF800000> : vector<408xf32>
    %reduce_max3A_9 = vector.multi_reduction <maximumf>, %get3A_8, %reduce_max3A [0] : vector<81x408xf32> to vector<408xf32>
    %broadcast_in_dim3A_10 = vector.shape_cast %reduce_max3A_9 : vector<408xf32> to vector<1x408xf32>
    %sub3A = vector.broadcast %broadcast_in_dim3A_10 : vector<1x408xf32> to vector<81x408xf32>
    %sub3A_11 = arith.subf %get3A_8, %sub3A : vector<81x408xf32>
    %exp3A = math.exp %sub3A_11 : vector<81x408xf32>
    %reduce_sum3A_12 = arith.constant dense<0.000000e+00> : vector<408xf32>
    %reduce_sum3A_13 = vector.multi_reduction <add>, %exp3A, %reduce_sum3A_12 [0] : vector<81x408xf32> to vector<408xf32>
    %broadcast_in_dim3A_14 = vector.shape_cast %reduce_sum3A_13 : vector<408xf32> to vector<1x408xf32>
    %log3A = math.log %broadcast_in_dim3A_14 : vector<1x408xf32>
    %iota3A_15 = tpu.iota {dimensions = array<i32: 0>} : vector<81x408xi32>
    %get3A_16 = arith.constant 0 : index
    %get3A_17 = arith.constant 0 : index
    %get3A_18 = vector.load %arg2[%get3A_16, %get3A_17] : memref<1x408xi32, #tpu.memory_space<vmem>>, vector<1x408xi32>
    %eq3A = vector.broadcast %get3A_18 : vector<1x408xi32> to vector<81x408xi32>
    %eq3A_19 = arith.cmpi eq, %iota3A_15, %eq3A : vector<81x408xi32>
    %jit3A_20 = arith.constant 0.000000e+00 : f32
    %broadcast_in_dim3A_21 = vector.broadcast %jit3A_20 : f32 to vector<81x408xf32>
    %select_n3A_22 = arith.select %eq3A_19, %sub3A_11, %broadcast_in_dim3A_21 : vector<81x408xi1>, vector<81x408xf32>
    %reduce_sum3A_23 = arith.constant dense<0.000000e+00> : vector<408xf32>
    %reduce_sum3A_24 = vector.multi_reduction <add>, %select_n3A_22, %reduce_sum3A_23 [0] : vector<81x408xf32> to vector<408xf32>
    %broadcast_in_dim3A_25 = vector.shape_cast %reduce_sum3A_24 : vector<408xf32> to vector<1x408xf32>
    %sub3A_26 = arith.subf %log3A, %broadcast_in_dim3A_25 : vector<1x408xf32>
    %get3A_27 = arith.constant 0 : index
    %get3A_28 = arith.constant 0 : index
    %get3A_29 = vector.load %arg3[%get3A_27, %get3A_28] : memref<4x408xf32, #tpu.memory_space<vmem>>, vector<4x408xf32>
    %get3A_30 = arith.constant 0 : index
    %get3A_31 = arith.constant 0 : index
    %get3A_32 = vector.load %arg4[%get3A_30, %get3A_31] : memref<4x408xf32, #tpu.memory_space<vmem>>, vector<4x408xf32>
    %sub3A_33 = arith.subf %get3A_29, %get3A_32 : vector<4x408xf32>
    %abs3A = math.absf %sub3A_33 : vector<4x408xf32>
    %lt3A = arith.constant 1.000000e+00 : f32
    %lt3A_34 = vector.broadcast %lt3A : f32 to vector<4x408xf32>
    %lt3A_35 = arith.cmpf olt, %abs3A, %lt3A_34 : vector<4x408xf32>
    %mul3A = arith.constant 5.000000e-01 : f32
    %mul3A_36 = vector.broadcast %mul3A : f32 to vector<4x408xf32>
    %mul3A_37 = arith.mulf %mul3A_36, %abs3A : vector<4x408xf32>
    %mul3A_38 = arith.mulf %mul3A_37, %abs3A : vector<4x408xf32>
    %sub3A_39 = arith.constant 5.000000e-01 : f32
    %sub3A_40 = vector.broadcast %sub3A_39 : f32 to vector<4x408xf32>
    %sub3A_41 = arith.subf %abs3A, %sub3A_40 : vector<4x408xf32>
    %select_n3A_42 = arith.select %lt3A_35, %mul3A_38, %sub3A_41 : vector<4x408xi1>, vector<4x408xf32>
    %reduce_sum3A_43 = arith.constant dense<0.000000e+00> : vector<408xf32>
    %reduce_sum3A_44 = vector.multi_reduction <add>, %select_n3A_42, %reduce_sum3A_43 [0] : vector<4x408xf32> to vector<408xf32>
    %broadcast_in_dim3A_45 = vector.shape_cast %reduce_sum3A_44 : vector<408xf32> to vector<1x408xf32>
    %slice3A_46 = vector.extract_strided_slice %get3A_29 {offsets = [2, 0], sizes = [1, 408], strides = [1, 1]} : vector<4x408xf32> to vector<1x408xf32>
    %slice3A_47 = vector.extract_strided_slice %get3A_29 {offsets = [0, 0], sizes = [1, 408], strides = [1, 1]} : vector<4x408xf32> to vector<1x408xf32>
    %sub3A_48 = arith.subf %slice3A_46, %slice3A_47 : vector<1x408xf32>
    %slice3A_49 = vector.extract_strided_slice %get3A_29 {offsets = [3, 0], sizes = [1, 408], strides = [1, 1]} : vector<4x408xf32> to vector<1x408xf32>
    %slice3A_50 = vector.extract_strided_slice %get3A_29 {offsets = [1, 0], sizes = [1, 408], strides = [1, 1]} : vector<4x408xf32> to vector<1x408xf32>
    %sub3A_51 = arith.subf %slice3A_49, %slice3A_50 : vector<1x408xf32>
    %mul3A_52 = arith.mulf %sub3A_48, %sub3A_51 : vector<1x408xf32>
    %slice3A_53 = vector.extract_strided_slice %get3A_32 {offsets = [2, 0], sizes = [1, 408], strides = [1, 1]} : vector<4x408xf32> to vector<1x408xf32>
    %slice3A_54 = vector.extract_strided_slice %get3A_32 {offsets = [0, 0], sizes = [1, 408], strides = [1, 1]} : vector<4x408xf32> to vector<1x408xf32>
    %sub3A_55 = arith.subf %slice3A_53, %slice3A_54 : vector<1x408xf32>
    %slice3A_56 = vector.extract_strided_slice %get3A_32 {offsets = [3, 0], sizes = [1, 408], strides = [1, 1]} : vector<4x408xf32> to vector<1x408xf32>
    %slice3A_57 = vector.extract_strided_slice %get3A_32 {offsets = [1, 0], sizes = [1, 408], strides = [1, 1]} : vector<4x408xf32> to vector<1x408xf32>
    %sub3A_58 = arith.subf %slice3A_56, %slice3A_57 : vector<1x408xf32>
    %mul3A_59 = arith.mulf %sub3A_55, %sub3A_58 : vector<1x408xf32>
    %slice3A_60 = vector.extract_strided_slice %get3A_29 {offsets = [2, 0], sizes = [1, 408], strides = [1, 1]} : vector<4x408xf32> to vector<1x408xf32>
    %slice3A_61 = vector.extract_strided_slice %get3A_32 {offsets = [2, 0], sizes = [1, 408], strides = [1, 1]} : vector<4x408xf32> to vector<1x408xf32>
    %min3A = arith.minimumf %slice3A_60, %slice3A_61 : vector<1x408xf32>
    %slice3A_62 = vector.extract_strided_slice %get3A_29 {offsets = [0, 0], sizes = [1, 408], strides = [1, 1]} : vector<4x408xf32> to vector<1x408xf32>
    %slice3A_63 = vector.extract_strided_slice %get3A_32 {offsets = [0, 0], sizes = [1, 408], strides = [1, 1]} : vector<4x408xf32> to vector<1x408xf32>
    %max3A = arith.maximumf %slice3A_62, %slice3A_63 : vector<1x408xf32>
    %sub3A_64 = arith.subf %min3A, %max3A : vector<1x408xf32>
    %max3A_65 = arith.constant 0.000000e+00 : f32
    %max3A_66 = vector.broadcast %max3A_65 : f32 to vector<1x408xf32>
    %max3A_67 = arith.maximumf %sub3A_64, %max3A_66 : vector<1x408xf32>
    %slice3A_68 = vector.extract_strided_slice %get3A_29 {offsets = [3, 0], sizes = [1, 408], strides = [1, 1]} : vector<4x408xf32> to vector<1x408xf32>
    %slice3A_69 = vector.extract_strided_slice %get3A_32 {offsets = [3, 0], sizes = [1, 408], strides = [1, 1]} : vector<4x408xf32> to vector<1x408xf32>
    %min3A_70 = arith.minimumf %slice3A_68, %slice3A_69 : vector<1x408xf32>
    %slice3A_71 = vector.extract_strided_slice %get3A_29 {offsets = [1, 0], sizes = [1, 408], strides = [1, 1]} : vector<4x408xf32> to vector<1x408xf32>
    %slice3A_72 = vector.extract_strided_slice %get3A_32 {offsets = [1, 0], sizes = [1, 408], strides = [1, 1]} : vector<4x408xf32> to vector<1x408xf32>
    %max3A_73 = arith.maximumf %slice3A_71, %slice3A_72 : vector<1x408xf32>
    %sub3A_74 = arith.subf %min3A_70, %max3A_73 : vector<1x408xf32>
    %max3A_75 = arith.constant 0.000000e+00 : f32
    %max3A_76 = vector.broadcast %max3A_75 : f32 to vector<1x408xf32>
    %max3A_77 = arith.maximumf %sub3A_74, %max3A_76 : vector<1x408xf32>
    %mul3A_78 = arith.mulf %max3A_67, %max3A_77 : vector<1x408xf32>
    %add3A = arith.addf %mul3A_52, %mul3A_59 : vector<1x408xf32>
    %sub3A_79 = arith.subf %add3A, %mul3A_78 : vector<1x408xf32>
    %max3A_80 = arith.constant 9.99999971E-10 : f32
    %max3A_81 = vector.broadcast %max3A_80 : f32 to vector<1x408xf32>
    %max3A_82 = arith.maximumf %sub3A_79, %max3A_81 : vector<1x408xf32>
    %div3A = arith.divf %mul3A_78, %max3A_82 : vector<1x408xf32>
    %sub3A_83 = arith.constant 1.000000e+00 : f32
    %sub3A_84 = vector.broadcast %sub3A_83 : f32 to vector<1x408xf32>
    %sub3A_85 = arith.subf %sub3A_84, %div3A : vector<1x408xf32>
    %mul3A_86 = arith.mulf %select_n3A, %sub3A_26 : vector<1x408xf32>
    %reduce_sum3A_87 = vector.shape_cast %mul3A_86 : vector<1x408xf32> to vector<1x1x408xf32>
    %reduce_sum3A_88 = arith.constant dense<0.000000e+00> : vector<1xf32>
    %reduce_sum3A_89 = vector.multi_reduction <add>, %reduce_sum3A_87, %reduce_sum3A_88 [1, 2] : vector<1x1x408xf32> to vector<1xf32>
    %reduce_sum3A_90 = vector.shape_cast %reduce_sum3A_89 : vector<1xf32> to vector<1x1x1xf32>
    %reduce_sum3A_91 = vector.extract %reduce_sum3A_90[0, 0, 0] : f32 from vector<1x1x1xf32>
    %broadcast_in_dim3A_92 = vector.broadcast %reduce_sum3A_91 : f32 to vector<1x1xf32>
    %div3A_93 = arith.constant 5.000000e+04 : f32
    %div3A_94 = vector.broadcast %div3A_93 : f32 to vector<1x1xf32>
    %div3A_95 = arith.divf %broadcast_in_dim3A_92, %div3A_94 : vector<1x1xf32>
    %mul3A_96 = arith.mulf %select_n3A, %broadcast_in_dim3A_45 : vector<1x408xf32>
    %reduce_sum3A_97 = vector.shape_cast %mul3A_96 : vector<1x408xf32> to vector<1x1x408xf32>
    %reduce_sum3A_98 = arith.constant dense<0.000000e+00> : vector<1xf32>
    %reduce_sum3A_99 = vector.multi_reduction <add>, %reduce_sum3A_97, %reduce_sum3A_98 [1, 2] : vector<1x1x408xf32> to vector<1xf32>
    %reduce_sum3A_100 = vector.shape_cast %reduce_sum3A_99 : vector<1xf32> to vector<1x1x1xf32>
    %reduce_sum3A_101 = vector.extract %reduce_sum3A_100[0, 0, 0] : f32 from vector<1x1x1xf32>
    %broadcast_in_dim3A_102 = vector.broadcast %reduce_sum3A_101 : f32 to vector<1x1xf32>
    %div3A_103 = arith.constant 2.000000e+05 : f32
    %div3A_104 = vector.broadcast %div3A_103 : f32 to vector<1x1xf32>
    %div3A_105 = arith.divf %broadcast_in_dim3A_102, %div3A_104 : vector<1x1xf32>
    %mul3A_106 = arith.mulf %select_n3A, %sub3A_85 : vector<1x408xf32>
    %reduce_sum3A_107 = vector.shape_cast %mul3A_106 : vector<1x408xf32> to vector<1x1x408xf32>
    %reduce_sum3A_108 = arith.constant dense<0.000000e+00> : vector<1xf32>
    %reduce_sum3A_109 = vector.multi_reduction <add>, %reduce_sum3A_107, %reduce_sum3A_108 [1, 2] : vector<1x1x408xf32> to vector<1xf32>
    %reduce_sum3A_110 = vector.shape_cast %reduce_sum3A_109 : vector<1xf32> to vector<1x1x1xf32>
    %reduce_sum3A_111 = vector.extract %reduce_sum3A_110[0, 0, 0] : f32 from vector<1x1x1xf32>
    %broadcast_in_dim3A_112 = vector.broadcast %reduce_sum3A_111 : f32 to vector<1x1xf32>
    %div3A_113 = arith.constant 5.000000e+04 : f32
    %div3A_114 = vector.broadcast %div3A_113 : f32 to vector<1x1xf32>
    %div3A_115 = arith.divf %broadcast_in_dim3A_112, %div3A_114 : vector<1x1xf32>
    %add3A_116 = arith.addf %div3A_95, %div3A_105 : vector<1x1xf32>
    %add3A_117 = arith.addf %add3A_116, %div3A_115 : vector<1x1xf32>
    %concatenate3A = tpu.concatenate %div3A_95, %div3A_105, %div3A_115, %add3A_117 in 1 : vector<1x1xf32>, vector<1x1xf32>, vector<1x1xf32>, vector<1x1xf32> -> vector<1x4xf32>
    %swap3A = arith.constant 0 : index
    %swap3A_118 = arith.constant 0 : index
    %swap3A_119 = vector.load %arg5[%swap3A, %swap3A_118] : memref<1x4xf32, #tpu.memory_space<vmem>>, vector<1x4xf32>
    tpu.vector_store %arg5[%swap3A, %swap3A_118], %concatenate3A {strides = array<i32>} : memref<1x4xf32, #tpu.memory_space<vmem>>, vector<1x4xf32>,
    return
  }
}

</mosaic_0001>

<sc_bundles>
// kernel: kernel.5.cloned.1.call-start
scs
__scs_entry_jumppad:
0x0: {  	(pc) =	sbr.rel $0x88, $3  }
0x1: {  	(tag) =	ssettag $0x0;
	lr =	simm.s32 $0x1  }
0x2: {  	[smem:$0x3F9D] =	sst lr;
	_ =	strace $0xD0000000  }
0x3: {  	_ = 	snop  }
0x4: {  	_ = 	snop  }
0x5: {  	_ = 	snop  }
0x6: {  	_ = 	snop  }
0x7: {  	_ = 	snop  }
__scs_overlays_trampoline_lowered:
0x8: {  	[smem:$0x3FAC] =	sst s0  }
0x9: {  	[smem:$0x3FAD] =	sst s1  }
0xa: {  	[smem:$0x3FAE] =	sst s2  }
0xb: {  	[smem:$0x3FAF] =	sst s3  }
0xc: {  	[smem:$0x3FB0] =	sst s4  }
0xd: {  	[smem:$0x3FB1] =	sst s5  }
0xe: {  	[smem:$0x3FB2] =	sst s6  }
0xf: {  	[smem:$0x3FB3] =	sst s7  }
0x10: {  	[smem:$0x3FB4] =	sst s8  }
0x11: {  	[smem:$0x3FB5] =	sst s9;
	s0 =	simm.s32 @!p0 $0x0  }
0x12: {  	s1 =	sld [smem:$0x3F9B];
	s0 =	simm.s32 @p0 $0x1  }
0x13: {  	[smem:$0x3FB6] =	sst s0;
	s0 =	simm.s32 @!p1 $0x0  }
0x14: {  	s2 =	sld [smem:$0x3F9A];
	s0 =	simm.s32 @p1 $0x1  }
0x15: {  	[smem:$0x3FB7] =	sst s0;
	s0 =	simm.s32 @!p2 $0x0  }
0x16: {  	s3 =	sld [smem:$0x3FDB];
	s0 =	simm.s32 @p2 $0x1  }
0x17: {  	s4 =	simm.s32 $0x1BF5;
	[smem:$0x3FB9] =	sst s0  }
0x18: {  	s0 =	sld [smem:$0x3F9C];
	_ =	swait.ge [sflag:s4], $0x0  }
0x19: {  	s7 =	sld [smem:$0x3F9D]  }
0x1a: {  	s8 =	sadd.s32 $0xFFFFE003, lr  }
0x1b: {  	s9 =	sadd.s32 $0xFFFFFEF7, lr;
	s5 =	simm.s32 $0xFFFFFFFF;
	p2 =	slt.u32 s8, $0xFFFFF086  }
0x1c: {  	p1 =	slt.u32 s9, $0xF7A;
	s5 =	simm.s32 @!p2 $0x0  }
0x1d: {  	s5 =	simm.s32 @p1 $0x1;
	p0 =	seq.s32 s7, s2  }
0x1e: {  	s7 =	smul.u32 @!p0 $0xF7A, s2;
	p2 =	seq.s32 @!p0 s5, $0x0  }
0x1f: {  	s9 =	smul.u32 $0xF7A, s1;
	s8 =	simm.s32 @!p0 $0x1BF5;
	p2 =	por !p2, p0  }
0x20: {  	[sflag:s8] =	ssyncset.s32 @!p0 $0xFFFFF086;
	s6 =	sadd.s32 @!p0 s3, s7;
	s7 =	simm.s32 @!p0 $0x108  }
0x21: {  	s3 =	sadd.s32 s3, s9;
	s6 =	sadd.s32 @!p0 $0x88, s6;
	s7 =	simm.s32 @p2 $0x1082  }
0x22: {  	[simem:s7], [sflag:s8] =	dma.local @!p0 [hbm:s6], $0xF7A  }
0x23: {  	s9 =	sor.u32 $0xD0000000, s2;
	s6 =	simm.s32 $0x108;
	_ =	swait.ge @!p0 [sflag:s8], $0x0  }
0x24: {  	s3 =	sadd.s32 $0x88, s3;
	s6 =	simm.s32 @!p1 $0x1082;
	[sflag:s4] =	ssyncset.s32 $0xFFFFF086  }
0x25: {  	[simem:s6], [sflag:s4] =	dma.local [hbm:s3], $0xF7A  }
0x26: {  	[smem:$0x3F9D] =	sst s1;
	(tag) =	ssettag s2;
	_ =	strace s9  }
0x27: {  	s1 =	sld [smem:$0x3FAD]  }
0x28: {  	s2 =	sld [smem:$0x3FAE]  }
0x29: {  	s4 =	sld [smem:$0x3FB0]  }
0x2a: {  	p0 =	seq.s32 s5, $0x0;
	s5 =	sld [smem:$0x3FB1]  }
0x2b: {  	s6 =	sld [smem:$0x3FB2]  }
0x2c: {  	s7 =	sld [smem:$0x3FB3]  }
0x2d: {  	s3 =	simm.s32 $0x108;
	s8 =	sld [smem:$0x3FB4]  }
0x2e: {  	s3 =	simm.s32 @!p0 $0x1082;
	s9 =	sld [smem:$0x3FB5]  }
0x2f: {  	lr =	sadd.s32 s0, s3;
	s0 =	sld [smem:$0x3FAC]  }
0x30: {  	s3 =	sld [smem:$0x3FAF]  }
0x31: {  	[smem:$0x3FB8] =	sst s10  }
0x32: {  	s10 =	sld [smem:$0x3FB6];
	_ =	sdelay $0x3  }
0x33: {  	p0 =	seq.s32 s10, $0x1;
	s10 =	sld [smem:$0x3FB8];
	_ =	sdelay $0x3  }
0x34: {  	[smem:$0x3FB8] =	sst s10  }
0x35: {  	s10 =	sld [smem:$0x3FB7];
	_ =	sdelay $0x3  }
0x36: {  	p1 =	seq.s32 s10, $0x1;
	s10 =	sld [smem:$0x3FB8];
	_ =	sdelay $0x3  }
0x37: {  	[smem:$0x3FB8] =	sst s10  }
0x38: {  	s10 =	sld [smem:$0x3FB9]  }
0x39: {  	_ = 	snop;
	(pc) =	sbr.ind lr, $3  }
0x3a: {  	_ = 	snop  }
0x3b: {  	_ = 	snop  }
0x3c: {  	p2 =	seq.s32 s10, $0x1;
	s10 =	sld [smem:$0x3FB8]  }
0x3d: {  	_ =	shalt  }
0x3e: {  	_ =	shalt  }
0x3f: {  	_ =	shalt  }
0x40: {  	_ =	shalt  }
0x41: {  	_ =	shalt  }
0x42: {  	_ =	shalt  }
0x43: {  	_ =	shalt  }
0x44: {  	_ =	shalt  }
0x45: {  	_ =	shalt  }
0x46: {  	_ =	shalt  }
0x47: {  	_ =	shalt  }
0x48: {  	_ =	shalt  }
0x49: {  	_ =	shalt  }
0x4a: {  	_ =	shalt  }
0x4b: {  	_ =	shalt  }
0x4c: {  	_ =	shalt  }
0x4d: {  	_ =	shalt  }
0x4e: {  	_ =	shalt  }
0x4f: {  	_ =	shalt  }
0x50: {  	_ =	shalt  }
0x51: {  	_ =	shalt  }
0x52: {  	_ =	shalt  }
0x53: {  	_ =	shalt  }
0x54: {  	_ =	shalt  }
0x55: {  	_ =	shalt  }
0x56: {  	_ =	shalt  }
0x57: {  	_ =	shalt  }
0x58: {  	_ =	shalt  }
0x59: {  	_ =	shalt  }
0x5a: {  	_ =	shalt  }
0x5b: {  	_ =	shalt  }
0x5c: {  	_ =	shalt  }
0x5d: {  	_ =	shalt  }
0x5e: {  	_ =	shalt  }
0x5f: {  	_ =	shalt  }
0x60: {  	_ =	shalt  }
0x61: {  	_ =	shalt  }
0x62: {  	_ =	shalt  }
0x63: {  	_ =	shalt  }
0x64: {  	_ =	shalt  }
0x65: {  	_ =	shalt  }
0x66: {  	_ =	shalt  }
0x67: {  	_ =	shalt  }
0x68: {  	_ =	shalt  }
0x69: {  	_ =	shalt  }
0x6a: {  	_ =	shalt  }
0x6b: {  	_ =	shalt  }
0x6c: {  	_ =	shalt  }
0x6d: {  	_ =	shalt  }
0x6e: {  	_ =	shalt  }
0x6f: {  	_ =	shalt  }
0x70: {  	_ =	shalt  }
0x71: {  	_ =	shalt  }
0x72: {  	_ =	shalt  }
0x73: {  	_ =	shalt  }
0x74: {  	_ =	shalt  }
0x75: {  	_ =	shalt  }
0x76: {  	_ =	shalt  }
0x77: {  	_ =	shalt  }
0x78: {  	_ =	shalt  }
0x79: {  	_ =	shalt  }
0x7a: {  	_ =	shalt  }
0x7b: {  	_ =	shalt  }
0x7c: {  	_ =	shalt  }
0x7d: {  	_ =	shalt  }
0x7e: {  	_ =	shalt  }
0x7f: {  	_ =	shalt  }
0x80: {  	_ =	shalt  }
0x81: {  	_ =	shalt  }
0x82: {  	_ =	shalt  }
0x83: {  	_ =	shalt  }
0x84: {  	_ =	shalt  }
0x85: {  	_ =	shalt  }
0x86: {  	_ =	shalt  }
0x87: {  	_ =	shalt  }
.Lfunc_end0:
.L_simem_size_0:
called_computation_lowered:
.L_overlay_start_0:
0x88: {  	s2 =	sld [smem:$0x3FD9]  }
0x89: {  	s3 =	sld [smem:$0x3FFE];
	_ =	sdelay $0x1  }
0x8a: {  	s1 =	srdreg.scid  }
0x8b: {  	s0 =	sand.u32 $0x1, s1  }
0x8c: {  	s16 =	sshll.u32 s0, $0xA;
	s2 =	sadd.s32 s3, s2  }
0x8d: {  	s2 =	sadd.s32 s2, s16  }
0x8e: {  	[smem:$0x3FC4] =	sst s2  }
0x8f: {  	_ = 	snop  }
0x90: {  	(tm) =	ssettm $0x1  }
0x91: {  	s17 =	sld [smem:$0x3FFB];
	_ =	sdelay $0x3  }
0x92: {  	_ =	strace s17  }
0x93: {  	s2 =	sld [smem:$0x3FFC];
	_ =	sdelay $0x3  }
0x94: {  	_ =	strace s2  }
0x95: {  	s2 =	sld [smem:$0x3FFD];
	_ =	sdelay $0x3  }
0x96: {  	_ =	strace s2  }
0x97: {  	_ =	strace $0x8FFFFFFF  }
0x98: {  	s18 =	sld [smem:$0x3FDB];
	_ =	sdelay $0x1  }
0x99: {  	s19 =	simm.s32 $_scs_section_size  }
0x9a: {  	s4 =	simm.s32 $_size__tile_overlayer_lowered;
	s5 =	simm.s32 $_tile_overlayer_lowered  }
0x9b: {  	s22 =	simm.s32 $0x1BFF;
	s21 =	sshll.u32 s5, $0x1;
	s2 =	sadd.s32 s19, s18  }
0x9c: {  	s6 =	simm.s32 $0x0;
	s20 =	sshll.u32 s4, $0x1;
	s4 =	sadd.s32 s21, s2  }
0x9d: {  	[timem:s6], [sflag:s22] =	dma.local [hbm:s4], s20  }
0x9e: {  	_ =	swait.ge [sflag:s22], s20  }
0x9f: {  	s3 =	ssub.s32 $0x0, s20;
	[sflag:s22] =	ssyncset.done $0x0  }
0xa0: {  	[sflag:s22] =	ssyncadd.s32 s3;
	_ =	sdelay $0x1  }
0xa1: {  	s23 =	simm.s32 $0x1B8B  }
0xa2: {  	_ =	swait.ge [sflag:s23], $0x1  }
0xa3: {  	[sflag:s23] =	ssyncset.done $0x0  }
0xa4: {  	s25 =	simm.s32 $0x1B8E;
	s24 =	sld [smem:$0x3FFE];
	[sflag:s23] =	ssyncadd.s32 $0xFFFFFFFF  }
0xa5: {  	s26 =	simm.s32 $execute0_lowered;
	[smem:$0x3FD2] =	sst s25  }
0xa6: {  	s4 =	sshll.u32 s26, $0x1;
	_ =	strace $0x80000046;
	[dreg:$0x1] =	wrdreg $0xFFFFFFFF  }
0xa7: {  	s28 =	simm.s32 $_size_execute0_lowered;
	s2 =	sadd.s32 s2, s4;
	[dreg:$0x0] =	wrdreg $0x0  }
0xa8: {  	s4 =	sshll.u32 s28, $0x1;
	[dreg:$0x2] =	wrdreg s2  }
0xa9: {  	[dreg:$0x3] =	wrdreg s4  }
0xaa: {  	[dreg:$0x4] =	wrdreg $0xC0  }
0xab: {  	_ =	task [dreg:s6], $0x5FFFF  }
0xac: {  	[dreg:$0x1] =	wrdreg $0xFFFFFFFF  }
0xad: {  	[dreg:$0x0] =	wrdreg $0x60  }
0xae: {  	[dreg:$0x2] =	wrdreg s24  }
0xaf: {  	[dreg:$0x3] =	wrdreg $0x9  }
0xb0: {  	_ =	task.clear_ibuf [dreg:s6], $0x4FFFF;
	_ =	strace $0x90000046  }
0xb1: {  	s29 =	simm.s32 $0x9;
	_ =	strace $0x80000048  }
0xb2: {  	_ =	swait.ge [sflag:s29], $0x1  }
0xb3: {  	[sflag:s29] =	ssyncadd.s32 $0xFFFFFFFF  }
0xb4: {  	_ =	strace $0x90000048  }
0xb5: {  	_ =	sfence  }
0xb6: {  	s30 =	sld [smem:$0x0];
	_ =	sdelay $0x2  }
0xb7: {  	s31 =	sshll.u32 s1, $0xD;
	s1 =	sshrl.u32 s1, $0x2  }
0xb8: {  	s3 =	sand.u32 $0x4000, s31;
	s1 =	sadd.s32 s1, s30  }
0xb9: {  	s0 =	sor.u32 s3, s0;
	s1 =	sshll.u32 s1, $0x11  }
0xba: {  	s0 =	sor.u32 s1, s0  }
0xbb: {  	s0 =	sadd.s32 $0x8F2B, s0  }
0xbc: {  	[sflag:s0] =	ssyncadd.remote.s32 $0x1  }
0xbd: {  	_ =	sfence.sel $0xFFFF  }
0xbe: {  	[dreg:$0x0] =	wrdreg $0xFFFFFFFF;
	(pc) =	sbr.abs _section_cstart, $3  }
0xbf: {  	[dreg:$0x1] =	wrdreg $0xFFFFFFFF  }
0xc0: {  	_ =	task.clear_ibuf [dreg:s6], $0x2FFFF;
	_ =	strace $0x9FFFFFFF  }
0xc1: {  	(tm) =	ssettm $0x7FFFFFFF  }
tec
execute0_lowered:
.L_overlay_start_1:
0x0: {  	(tag) =	ssettag $0x1  }
0x1: {  	s3 =	rddreg [dreg:$0x0]  }
0x2: {  	s0 =	rddreg [dreg:$0x1]  }
0x3: {  	s2 =	simm.s32 $0x0;
	s1 =	stileid.u32;
	s4 =	srdreg.scid  }
0x4: {  	s9 =	simm.s32 $0x400;
	s10 =	simm.s32 $0x2080;
	s11 =	simm.s32 $0x0  }
0x5: {  	s5 =	sshll.u32 s1, $0x7;
	s4 =	sand.u32 $0x1, s4;
	s6 =	sshll.u32 s1, $0x1  }
0x6: {  	[smem:$0x7FF] =	sst s2;
	s5 =	sand.u32 $0x600, s5;
	s6 =	sor.u32 s4, s6  }
0x7: {  	s4 =	ssub.s32 $0x2, s4;
	s5 =	sadd.s32 s5, s3;
	s7 =	sshll.u32 s6, $0x4  }
0x8: {  	s8 =	sshrl.u32 s4, $0x1;
	s6 =	smul.u32 $0xC4, s6;
	s7 =	sand.u32 $0x70, s7  }
0x9: {  	_ =	strace $0x80000047;
	s8 =	ssub.s32 s4, s8;
	s31 =	sadd.s32 s7, s5  }
0xa: {  	v1 =	vlaneseq.u32;
	s3 =	sadd.s32 s3, s6;
	s5 =	smax.u32 s8, $0x1;
	s6 =	simm.s32 $0x1  }
0xb: {  	v0 =	vimm.f32 $0.0e+00;
	v2 =	vimm.f32 $1.000000000e+00;
	v1 =	vmul.u32 $0x1A0, v1;
	s7 =	simm.s32 $0x680;
	s8 =	simm.s32 $0x80;
	s4 =	sadd.s32 $0x1A00, s31  }
.LBB2_1:
0xc: {  	[tilespmem:s2], [sflag:$0x1] =	stream.linear.gather [hbm4b:s3+s2], $0x620, $0x38;
	[tilespmem:$0x2280] =	vst v63  }
0xd: {  	_ =	swait.ge [sflag:s6], $0x620  }
0xe: {  	[sflag:s6] =	ssyncset.done $0x0  }
0xf: {  	s12 =	simm.s32 $0x0;
	s13 =	simm.s32 $0x400;
	[sflag:s6] =	ssyncadd.s32 $0xFFFFF9E0  }
.LBB2_2:
0x10: {  	p0 =	sne.s32 s13, $0x6400;
	[tilespmem:s12+$0x770] =	vst v0  }
0x11: {  	[tilespmem:s12+$0x680] =	vst v0  }
0x12: {  	[tilespmem:s12+$0x690] =	vst v0  }
0x13: {  	[tilespmem:s12+$0x6A0] =	vst v0  }
0x14: {  	[tilespmem:s12+$0x6B0] =	vst v0  }
0x15: {  	[tilespmem:s12+$0x6C0] =	vst v0  }
0x16: {  	[tilespmem:s12+$0x6D0] =	vst v0  }
0x17: {  	[tilespmem:s12+$0x6E0] =	vst v0  }
0x18: {  	[tilespmem:s12+$0x6F0] =	vst v0  }
0x19: {  	[tilespmem:s12+$0x700] =	vst v0  }
0x1a: {  	[tilespmem:s12+$0x710] =	vst v0  }
.Ltmp0:
0x1b: {  	[tilespmem:s12+$0x720] =	vst v0;
	(pc) =	sbr.rel @p0 .LBB2_2-.Ltmp0, $4  }
0x1c: {  	[tilespmem:s12+$0x730] =	vst v0  }
0x1d: {  	[tilespmem:s12+$0x740] =	vst v0  }
0x1e: {  	[tilespmem:s12+$0x750] =	vst v0  }
0x1f: {  	[tilespmem:s12+$0x760] =	vst v0;
	s12 =	sshra.s32 s13, $0x2;
	s13 =	sadd.s32 $0x400, s13  }
0x20: {  	[tilespmem:s12+$0x770] =	vst v0  }
0x21: {  	[tilespmem:s12+$0x680] =	vst v0  }
0x22: {  	[tilespmem:s12+$0x690] =	vst v0  }
0x23: {  	[tilespmem:s12+$0x6A0] =	vst v0  }
0x24: {  	[tilespmem:s12+$0x6B0] =	vst v0  }
0x25: {  	[tilespmem:s12+$0x6C0] =	vst v0  }
0x26: {  	[tilespmem:s12+$0x6D0] =	vst v0  }
0x27: {  	[tilespmem:s12+$0x6E0] =	vst v0  }
0x28: {  	[tilespmem:s12+$0x6F0] =	vst v0  }
0x29: {  	[tilespmem:s12+$0x700] =	vst v0  }
0x2a: {  	[tilespmem:s12+$0x710] =	vst v0  }
0x2b: {  	[tilespmem:s12+$0x720] =	vst v0  }
0x2c: {  	[tilespmem:s12+$0x730] =	vst v0  }
0x2d: {  	[tilespmem:s12+$0x740] =	vst v0  }
0x2e: {  	[tilespmem:s12+$0x750] =	vst v0  }
0x2f: {  	s13 =	simm.s32 $0x0;
	[tilespmem:s12+$0x760] =	vst v0;
	s12 =	simm.s32 $0x0  }
.LBB2_4:
0x30: {  	s14 =	sshra.s32 s12, $0x2  }
0x31: {  	v3 =	vld [tilespmem:s14+$0x0];
	_ =	sdelay $0x4  }
0x32: {  	v3 =	vadd.s32 v1, v3;
	_ =	sdelay $0x4  }
0x33: {  	[tilespmem:v3+s7+$0x0] =	vst.idx.add.f32.msk $0xffff, v2  }
0x34: {  	v3 =	vld [tilespmem:s14+$0x10];
	_ =	sdelay $0x4  }
0x35: {  	v3 =	vadd.s32 v1, v3;
	_ =	sdelay $0x4  }
0x36: {  	[tilespmem:v3+s7+$0x0] =	vst.idx.add.f32.msk $0xffff, v2  }
0x37: {  	v3 =	vld [tilespmem:s14+$0x20];
	_ =	sdelay $0x4  }
0x38: {  	v3 =	vadd.s32 v1, v3;
	_ =	sdelay $0x4  }
0x39: {  	[tilespmem:v3+s7+$0x0] =	vst.idx.add.f32.msk $0xffff, v2  }
0x3a: {  	v3 =	vld [tilespmem:s14+$0x30];
	_ =	sdelay $0x4  }
0x3b: {  	v3 =	vadd.s32 v1, v3;
	_ =	sdelay $0x4  }
0x3c: {  	[tilespmem:v3+s7+$0x0] =	vst.idx.add.f32.msk $0xffff, v2  }
0x3d: {  	v3 =	vld [tilespmem:s14+$0x40];
	_ =	sdelay $0x4  }
0x3e: {  	v3 =	vadd.s32 v1, v3;
	_ =	sdelay $0x4  }
0x3f: {  	[tilespmem:v3+s7+$0x0] =	vst.idx.add.f32.msk $0xffff, v2  }
0x40: {  	v3 =	vld [tilespmem:s14+$0x50];
	_ =	sdelay $0x4  }
0x41: {  	v3 =	vadd.s32 v1, v3;
	_ =	sdelay $0x4  }
0x42: {  	[tilespmem:v3+s7+$0x0] =	vst.idx.add.f32.msk $0xffff, v2  }
0x43: {  	v3 =	vld [tilespmem:s14+$0x60];
	_ =	sdelay $0x4  }
0x44: {  	p0 =	sne.s32 s12, $0x16C0;
	v3 =	vadd.s32 v1, v3  }
.Ltmp1:
0x45: {  	_ = 	snop;
	(pc) =	sbr.rel @p0 .LBB2_4-.Ltmp1, $2  }
0x46: {  	_ =	sdelay $0x2  }
0x47: {  	s12 =	sadd.s32 $0x1C0, s12;
	[tilespmem:v3+s7+$0x0] =	vst.idx.add.f32.msk $0xffff, v2  }
0x48: {  	s12 =	simm.s32 $0x1520  }
0x49: {  	v3 =	vld [tilespmem:s12+$0xFFFFF300]  }
0x4a: {  	v4 =	vld [tilespmem:s12+$0xFFFFF160];
	_ =	sdelay $0x1  }
0x4b: {  	v5 =	vld [tilespmem:s12+$0xFFFFF4A0];
	_ =	sdelay $0x1  }
0x4c: {  	v6 =	vld [tilespmem:s12+$0xFFFFF640]  }
0x4d: {  	s13 =	sand.u32 $0x1F0, s13;
	v3 =	vadd.f32 v3, v4  }
0x4e: {  	v4 =	vld [tilespmem:s13+$0xD00]  }
0x4f: {  	v3 =	vadd.f32 v5, v3  }
0x50: {  	v5 =	vld [tilespmem:s12+$0xFFFFF980]  }
0x51: {  	v3 =	vadd.f32 v6, v3  }
0x52: {  	v6 =	vld [tilespmem:s12+$0xFFFFFB20]  }
0x53: {  	v3 =	vadd.f32 v4, v3  }
0x54: {  	v4 =	vld [tilespmem:s12+$0xFFFFFCC0]  }
0x55: {  	v3 =	vadd.f32 v5, v3  }
0x56: {  	v5 =	vld [tilespmem:s13+$0x1380]  }
0x57: {  	v3 =	vadd.f32 v6, v3  }
0x58: {  	v6 =	vld [tilespmem:s12+$0x0]  }
0x59: {  	v3 =	vadd.f32 v4, v3  }
0x5a: {  	v4 =	vld [tilespmem:s12+$0x1A0]  }
0x5b: {  	v3 =	vadd.f32 v5, v3  }
0x5c: {  	v5 =	vld [tilespmem:s12+$0x340]  }
0x5d: {  	v3 =	vadd.f32 v6, v3  }
0x5e: {  	v6 =	vld [tilespmem:s13+$0x1A00]  }
0x5f: {  	v3 =	vadd.f32 v4, v3  }
0x60: {  	v4 =	vld [tilespmem:s12+$0x680]  }
0x61: {  	v3 =	vadd.f32 v5, v3  }
0x62: {  	v5 =	vld [tilespmem:s12+$0x820]  }
0x63: {  	v3 =	vadd.f32 v6, v3  }
0x64: {  	v6 =	vld [tilespmem:s12+$0x9C0]  }
0x65: {  	v3 =	vadd.f32 v4, v3;
	_ =	sdelay $0x1  }
0x66: {  	v3 =	vadd.f32 v5, v3;
	_ =	sdelay $0x1  }
0x67: {  	v3 =	vadd.f32 v6, v3  }
0x68: {  	s12 =	simm.s32 $0x2080  }
0x69: {  	s13 =	simm.s32 $0x1530;
	[tilespmem:s12+$0x0] =	vst v3  }
0x6a: {  	v3 =	vld [tilespmem:s13+$0xFFFFF300]  }
0x6b: {  	s14 =	simm.s32 $0x10;
	s15 =	simm.s32 $0x20;
	v4 =	vld [tilespmem:s13+$0xFFFFF160]  }
.LBB2_6:
0x6c: {  	p0 =	sne.s32 s15, $0x190  }
0x6d: {  	v5 =	vld [tilespmem:s13+$0xFFFFF4A0];
	_ =	sdelay $0x1  }
0x6e: {  	v6 =	vld [tilespmem:s13+$0xFFFFF640]  }
0x6f: {  	s16 =	sand.u32 $0x1F0, s14;
	s14 =	smov.u32 s15;
	v3 =	vadd.f32 v3, v4  }
0x70: {  	v4 =	vld [tilespmem:s16+$0xD00]  }
0x71: {  	v3 =	vadd.f32 v5, v3  }
0x72: {  	v5 =	vld [tilespmem:s13+$0xFFFFF980]  }
0x73: {  	v3 =	vadd.f32 v6, v3  }
0x74: {  	v6 =	vld [tilespmem:s13+$0xFFFFFB20]  }
0x75: {  	v3 =	vadd.f32 v4, v3  }
0x76: {  	v4 =	vld [tilespmem:s13+$0xFFFFFCC0]  }
0x77: {  	v3 =	vadd.f32 v5, v3  }
0x78: {  	v5 =	vld [tilespmem:s16+$0x1380]  }
0x79: {  	v3 =	vadd.f32 v6, v3  }
0x7a: {  	v6 =	vld [tilespmem:s13+$0x0]  }
0x7b: {  	v3 =	vadd.f32 v4, v3  }
0x7c: {  	v4 =	vld [tilespmem:s13+$0x1A0]  }
0x7d: {  	v3 =	vadd.f32 v5, v3  }
0x7e: {  	v5 =	vld [tilespmem:s13+$0x340]  }
0x7f: {  	v3 =	vadd.f32 v6, v3  }
0x80: {  	v6 =	vld [tilespmem:s16+$0x1A00]  }
0x81: {  	v3 =	vadd.f32 v4, v3  }
0x82: {  	v4 =	vld [tilespmem:s13+$0x680]  }
0x83: {  	v3 =	vadd.f32 v5, v3  }
0x84: {  	v5 =	vld [tilespmem:s13+$0x820]  }
0x85: {  	v3 =	vadd.f32 v6, v3  }
0x86: {  	v6 =	vld [tilespmem:s13+$0x9C0]  }
0x87: {  	v3 =	vadd.f32 v4, v3;
	_ =	sdelay $0x1  }
0x88: {  	v3 =	vadd.f32 v5, v3;
	_ =	sdelay $0x1  }
.Ltmp2:
0x89: {  	v3 =	vadd.f32 v6, v3;
	(pc) =	sbr.rel @p0 .LBB2_6-.Ltmp2, $4  }
0x8a: {  	s12 =	sadd.s32 $0x10, s12  }
0x8b: {  	s13 =	sadd.s32 $0x10, s13;
	[tilespmem:s12+$0x0] =	vst v3  }
0x8c: {  	v3 =	vld [tilespmem:s13+$0xFFFFF300]  }
0x8d: {  	s15 =	sadd.s32 $0x10, s15;
	v4 =	vld [tilespmem:s13+$0xFFFFF160]  }
0x8e: {  	_ = 	snop  }
0x8f: {  	v5 =	vld [tilespmem:s13+$0xFFFFF4A0];
	_ =	sdelay $0x1  }
0x90: {  	v6 =	vld [tilespmem:s13+$0xFFFFF640]  }
0x91: {  	s14 =	sand.u32 $0x1F0, s14;
	v3 =	vadd.f32 v3, v4  }
0x92: {  	v52 =	vld [tilespmem:s14+$0xD00]  }
0x93: {  	v3 =	vadd.f32 v5, v3  }
0x94: {  	v53 =	vld [tilespmem:s13+$0xFFFFF980]  }
0x95: {  	v3 =	vadd.f32 v6, v3  }
0x96: {  	v54 =	vld [tilespmem:s13+$0xFFFFFB20]  }
0x97: {  	v3 =	vadd.f32 v52, v3  }
0x98: {  	v55 =	vld [tilespmem:s13+$0xFFFFFCC0]  }
0x99: {  	v3 =	vadd.f32 v53, v3  }
0x9a: {  	v56 =	vld [tilespmem:s14+$0x1380]  }
0x9b: {  	v3 =	vadd.f32 v54, v3  }
0x9c: {  	v57 =	vld [tilespmem:s13+$0x0]  }
0x9d: {  	v3 =	vadd.f32 v55, v3  }
0x9e: {  	v58 =	vld [tilespmem:s13+$0x1A0]  }
0x9f: {  	v3 =	vadd.f32 v56, v3  }
0xa0: {  	v59 =	vld [tilespmem:s13+$0x340]  }
0xa1: {  	v3 =	vadd.f32 v57, v3  }
0xa2: {  	v60 =	vld [tilespmem:s14+$0x1A00]  }
0xa3: {  	v3 =	vadd.f32 v58, v3  }
0xa4: {  	v61 =	vld [tilespmem:s13+$0x680]  }
0xa5: {  	v3 =	vadd.f32 v59, v3  }
0xa6: {  	v62 =	vld [tilespmem:s13+$0x820]  }
0xa7: {  	v3 =	vadd.f32 v60, v3  }
0xa8: {  	v63 =	vld [tilespmem:s13+$0x9C0]  }
0xa9: {  	v3 =	vadd.f32 v61, v3;
	_ =	sdelay $0x1  }
0xaa: {  	v3 =	vadd.f32 v62, v3;
	_ =	sdelay $0x1  }
0xab: {  	s11 =	sadd.s32 $0x1, s11;
	v3 =	vadd.f32 v63, v3  }
0xac: {  	s12 =	sadd.s32 $0x10, s12;
	p0 =	sne.s32 s11, s5  }
.Ltmp3:
0xad: {  	[tilespmem:s12+$0x0] =	vst v3;
	(pc) =	sbr.rel @p0 .LBB2_1-.Ltmp3, $4  }
0xae: {  	[hbm4b:s4+s8] =	stream.strided.scatter [tilespmem:s10], [sflag:$0x1], $0x200, s9, s8, $0x38;
	[tilespmem:$0x2280] =	vst v63  }
0xaf: {  	_ =	swait.ge [sflag:s6], $0x200  }
0xb0: {  	[sflag:s6] =	ssyncset.done $0x0  }
0xb1: {  	[sflag:s6] =	ssyncadd.s32 $0xFFFFFE00  }
0xb2: {  	_ =	sfence.sel $0x180000  }
0xb3: {  	[bflag:$0x0] =	sbarrier.arrive $0xFFFF  }
0xb4: {  	p0 =	sne.s32 s1, $0x0;
	_ =	strace $0x90000047  }
0xb5: {  	s0 =	sadd.s32 @!p0 $0x100000, s0;
	[bflag:$0x2] =	sbarrier.arrive $0xFFFF  }
0xb6: {  	[sflag:s0] =	ssyncadd.tile.s32 @!p0 $0x1;
	_ =	shalt  }
.Lfunc_end2:
_tile_overlayer_lowered:
.L_overlay_start_2:
0xb7: {  	(tag) =	ssettag $0x2  }
0xb8: {  	s0 =	rddreg [dreg:$0x0];
	s2 =	stileid.u32  }
0xb9: {  	s1 =	rddreg [dreg:$0x1];
	p0 =	sne.s32 s2, $0x0  }
0xba: {  	s3 =	rddreg [dreg:$0x2];
	[bflag:$0x3] =	sbarrier.arrive $0xFFFF;
	s2 =	simm.s32 @!p0 $0x1C01  }
0xbb: {  	[timem:s3], [sflag:s2] =	dma.local @!p0 [hbm:s0], s1  }
0xbc: {  	s0 =	simm.s32 @!p0 $0x1  }
0xbd: {  	_ =	swait.ge @!p0 [sflag:s0], s1  }
0xbe: {  	s1 =	ssub.s32 @!p0 $0x0, s1;
	[sflag:s0] =	ssyncset.done @!p0 $0x0  }
0xbf: {  	[sflag:s0] =	ssyncadd.s32 @!p0 s1  }
0xc0: {  	[bflag:$0x3] =	sbarrier.arrive $0xFFFF  }
0xc1: {  	_ =	shalt  }

</sc_bundles>
